<compile_context>
chip_gen: v7x
topology: tpu7x:2x2x1
jax: 0.10.2.dev20260603
libtpu: 0.0.44.dev20260713+nightly
codegen_flags: <defaults>
</compile_context>

<pallas_src>
import functools

import jax
import jax.numpy as jnp
from jax import lax
from jax.experimental import pallas as pl
from jax.experimental.pallas import tpu as pltpu
from jax.experimental.pallas import tpu_sc as plsc

TEMP_INV = 1.0 / 3.0
TOPK = 10
L = 128
NGSEL = 16
NEG = -3.0e38
BIGI = 2 ** 30


def _tc_pass(part_features, mem_t, rb):
    K, B, D = part_features.shape
    N = mem_t.shape[2]
    ng = N // L
    cw = min(8192, N)

    def body(feat_ref, memt_ref, sim_ref, cand_ref, mnt_ref):
        r = pl.program_id(1)

        @pl.when(r == 0)
        def _():
            for cb in range(N // cw):
                x = memt_ref[0, :, pl.ds(cb * cw, cw)]
                nrm = jnp.sqrt(jnp.sum(x * x, axis=0, keepdims=True))
                mnt_ref[:, pl.ds(cb * cw, cw)] = x / jnp.maximum(nrm, 1e-12)

        feat = feat_ref[0]
        fn = feat / jnp.maximum(
            jnp.sqrt(jnp.sum(feat * feat, axis=1, keepdims=True)), 1e-12)
        gs = []
        for cb in range(N // cw):
            simc = lax.dot_general(
                fn, mnt_ref[:, pl.ds(cb * cw, cw)], (((1,), (0,)), ((), ())),
                preferred_element_type=jnp.float32)
            sim_ref[0, :, pl.ds(cb * cw, cw)] = simc
            gs.append(jnp.max(simc.reshape(rb, cw // L, L), axis=2))
        g = jnp.concatenate(gs, axis=1)
        gid = lax.broadcasted_iota(jnp.int32, (rb, ng), 1)
        lane = lax.broadcasted_iota(jnp.int32, (rb, NGSEL), 1)
        c = jnp.zeros((rb, NGSEL), jnp.int32)
        for t in range(NGSEL):
            m = jnp.max(g, axis=1, keepdims=True)
            pos = jnp.min(jnp.where(g >= m, gid, BIGI), axis=1, keepdims=True)
            c = jnp.where(lane == t, pos, c)
            g = jnp.where(gid == pos, NEG, g)
        cand_ref[0] = c

    return pl.pallas_call(
        body,
        grid=(K, B // rb),
        in_specs=[
            pl.BlockSpec((1, rb, D), lambda k, r: (k, r, 0)),
            pl.BlockSpec((1, D, N), lambda k, r: (k, 0, 0)),
        ],
        out_specs=[
            pl.BlockSpec((1, rb, N), lambda k, r: (k, r, 0)),
            pl.BlockSpec((1, rb, NGSEL), lambda k, r: (k, r, 0)),
        ],
        out_shape=[
            jax.ShapeDtypeStruct((K, B, N), jnp.float32),
            jax.ShapeDtypeStruct((K, B, NGSEL), jnp.int32),
        ],
        scratch_shapes=[pltpu.VMEM((D, N), jnp.float32)],
        compiler_params=pltpu.CompilerParams(
            vmem_limit_bytes=100 * 1024 * 1024),
    )(part_features, mem_t)


def _sc_pass(sim_view, cand_view, rows, n):
    ng = n // L
    nw = 32
    rpw = rows // nw
    mesh = plsc.VectorSubcoreMesh(core_axis_name="c", subcore_axis_name="s",
                                  num_cores=2, num_subcores=16)

    @functools.partial(
        pl.kernel,
        out_type=jax.ShapeDtypeStruct((rows, n), jnp.float32),
        mesh=mesh,
        compiler_params=pltpu.CompilerParams(needs_layout_passes=False),
        scratch_types=[
            pltpu.VMEM((n,), jnp.float32),
            pltpu.VMEM((NGSEL, L), jnp.float32),
            pltpu.VMEM((NGSEL,), jnp.int32),
        ],
    )
    def sck(sim_hbm, cand_hbm, out_hbm, zbuf, gbuf, cbuf):
        wid = lax.axis_index("s") * 2 + lax.axis_index("c")
        base = wid * rpw
        z16 = jnp.zeros((16,), jnp.float32)

        def zb(i, carry):
            zbuf[pl.ds(i * 16, 16)] = z16
            return carry
        lax.fori_loop(0, n // 16, zb, 0)

        iota16 = lax.iota(jnp.int32, 16)

        def row_body(i, carry):
            r = base + i
            pltpu.sync_copy(cand_hbm.at[r], cbuf)
            cvec = cbuf[...]
            gidx = cvec + r * ng
            pltpu.sync_copy(sim_hbm.at[gidx], gbuf)
            av = jnp.full((16,), NEG, jnp.float32)
            ai = jnp.zeros((16,), jnp.int32)
            for t in range(NGSEL):
                bsel = cvec.at[jnp.full((16,), t, jnp.int32)].get(
                    mode="promise_in_bounds") * L

                def sub(j, carry2, t=t, bsel=bsel):
                    av2, ai2 = carry2
                    vals = gbuf[t, pl.ds(j * 16, 16)]
                    cols = bsel + j * 16 + iota16
                    sv, sc = plsc.sort_key_val(vals, cols, descending=True)
                    rv = lax.rev(sv, (0,))
                    ri = lax.rev(sc, (0,))
                    keep = av2 >= rv
                    mv = jnp.where(keep, av2, rv)
                    mi = jnp.where(keep, ai2, ri)
                    nv, ni = plsc.sort_key_val(mv, mi, descending=True)
                    return (nv, ni)

                av, ai = lax.fori_loop(0, L // 16, sub, (av, ai))
            topm = iota16 < TOPK
            e = jnp.where(topm, jnp.exp(av * TEMP_INV), 0.0)
            p = e / jnp.sum(e)
            plsc.store_scatter(zbuf, [ai], p)
            pltpu.sync_copy(zbuf, out_hbm.at[r])
            plsc.store_scatter(zbuf, [ai], z16)
            return carry

        lax.fori_loop(0, rpw, row_body, 0)

    return sck(sim_view, cand_view)


@jax.jit
def kernel(part_features, memory):
    K, B, D = part_features.shape
    N = memory.shape[1]
    sim, cand = _tc_pass(part_features, jnp.swapaxes(memory, 1, 2), rb=32)
    sim_view = sim.reshape(K * B * (N // L), L)
    cand_view = cand.reshape(K * B, NGSEL)
    soft = _sc_pass(sim_view, cand_view, K * B, N)
    return soft.reshape(K, B, N), sim

# --- scband reference (transcript-rebuilt; emitter-appended) ---
"""Pipeline reference for scband-graph-propagation-26207890440714 (READ-ONLY COPY).

The authoritative reference and input builder live on the scoring server;
editing this copy changes nothing except your own understanding.
"""

import jax, jax.numpy as jnp
import numpy as np

TEMPERATURE = 3.0
TOP_K = 10


def _l2_normalize(x, axis=1, eps=1e-12):
    # matches torch F.normalize: x / max(||x||, eps)
    n = jnp.linalg.norm(x, ord=2, axis=axis, keepdims=True)
    return x / jnp.maximum(n, eps)


def _top_k_filter(sim, k):
    B, N = sim.shape
    if k >= N:
        return sim
    vals, idx = jax.lax.top_k(sim, k)
    fill_value = -1000000000.0  # float32 path of the torch module
    filtered = jnp.full_like(sim, fill_value)
    rows = jnp.arange(B)[:, None]
    filtered = filtered.at[rows, idx].set(vals)
    return filtered


def setup_inputs(seed: int = 0) -> dict:
    key = jax.random.key(seed)
    k1, k2 = jax.random.split(key)
    part_features = jax.random.normal(k1, (3, 512, 32), dtype=jnp.float32)
    memory = jax.random.normal(k2, (3, 65536, 32), dtype=jnp.float32)
    return {"part_features": part_features, "memory": memory}


def reference(part_features, memory):
    # part_features: [K, B, D] (iterated as a list of K [B, D] tensors)
    # memory: [K, N, D]  (stands in for memory_bank.memory[k])
    K = part_features.shape[0]
    soft_labels = []
    similarities = []
    for k in range(K):
        feat = part_features[k]
        feat_norm = _l2_normalize(feat, axis=1)
        memory_norm = _l2_normalize(memory[k], axis=1)
        sim = feat_norm @ memory_norm.T  # [B, N]
        filtered_sim = _top_k_filter(sim, TOP_K)
        soft_label = jax.nn.softmax(filtered_sim / TEMPERATURE, axis=1)
        soft_labels.append(soft_label)
        similarities.append(sim)
    return (jnp.stack(soft_labels, axis=0), jnp.stack(similarities, axis=0))

if __name__ == "__main__":
    import jax
    _d = setup_inputs()
    print(jax.jit(kernel)(*tuple(_d.values())))

</pallas_src>

<mosaic_0001>
#map = affine_map<(d0, d1) -> (0, 0)>
module attributes {stable_mosaic.version = 14 : i64} {
  func.func @sck(%arg0: i32, %arg1: i32, %arg2: memref<786432x128xf32, #tpu.memory_space<hbm>>, %arg3: memref<1536x16xi32, #tpu.memory_space<hbm>>, %arg4: memref<1536x65536xf32, #tpu.memory_space<hbm>>, %arg5: memref<65536xf32, #tpu.memory_space<vmem>>, %arg6: memref<16x128xf32, #tpu.memory_space<vmem>>, %arg7: memref<16xi32, #tpu.memory_space<vmem>>) attributes {dimension_semantics = [#tpu.dimension_semantics<core_parallel>, #tpu.dimension_semantics<subcore_parallel>], iteration_bounds = array<i64: 2, 16>, scalar_prefetch = 0 : i64, scratch_operands = 3 : i64, tpu.core_type = #tpu.core_type<sc_vector_subcore>, window_params = [{transform_indices = #map}, {transform_indices = #map}, {transform_indices = #map}]} {
    %mul3A = arith.constant 2 : i32
    %mul3A_0 = arith.muli %arg1, %mul3A : i32
    %add3A = arith.addi %mul3A_0, %arg0 : i32
    %mul3A_1 = arith.constant 48 : i32
    %mul3A_2 = arith.muli %add3A, %mul3A_1 : i32
    %broadcast_in_dim3A = arith.constant 0.000000e+00 : f32
    %broadcast_in_dim3A_3 = vector.broadcast %broadcast_in_dim3A : f32 to vector<16xf32>
    %scan3A = arith.constant 0 : i32
    %scan3A_4 = arith.constant 0 : i32
    %scan3A_5 = arith.constant 4096 : i32
    %scan3A_6 = arith.addi %scan3A_4, %scan3A_5 : i32
    %scan3A_7 = arith.constant 1 : i32
    scf.for %scan3A_15 = %scan3A_4 to %scan3A_6 step %scan3A_7  : i32 {
      %mul3A_16 = arith.constant 16 : i32
      %mul3A_17 = arith.muli %scan3A_15, %mul3A_16 : i32
      %swap3A = arith.index_cast %mul3A_17 : i32 to index
      %swap3A_18 = tpu.vector_load %arg5[%swap3A] {strides = array<i32>} : memref<65536xf32, #tpu.memory_space<vmem>>, vector<16xf32>,
      tpu.vector_store %arg5[%swap3A], %broadcast_in_dim3A_3 {strides = array<i32>} : memref<65536xf32, #tpu.memory_space<vmem>>, vector<16xf32>,
    }
    %scan3A_8 = arith.constant 4096 : i32
    %iota3A = tpu.iota {dimensions = array<i32: 0>} : vector<16xi32>
    %scan3A_9 = arith.constant 0 : i32
    %scan3A_10 = arith.constant 0 : i32
    %scan3A_11 = arith.constant 48 : i32
    %scan3A_12 = arith.addi %scan3A_10, %scan3A_11 : i32
    %scan3A_13 = arith.constant 1 : i32
    scf.for %scan3A_15 = %scan3A_10 to %scan3A_12 step %scan3A_13  : i32 {
      %add3A_16 = arith.addi %mul3A_2, %scan3A_15 : i32
      "tpu.region"() ({
        %run_scoped3A = tpu.sem_alloc : memref<!tpu.dma_semaphore, #tpu.memory_space<semaphore_mem>>
        %dma_start3A = arith.constant 0 : i32
        %dma_start3A_371 = tpu.memref_slice %arg3[%add3A_16, %dma_start3A] : memref<1536x16xi32, #tpu.memory_space<hbm>> -> memref<1x16xi32, #tpu.memory_space<hbm>>
        %dma_start3A_372 = tpu.memref_squeeze %dma_start3A_371 : memref<1x16xi32, #tpu.memory_space<hbm>> -> memref<16xi32, #tpu.memory_space<hbm>>
        %dma_start3A_373 = arith.constant 0 : i32
        %dma_start3A_374 = tpu.memref_slice %arg3[%add3A_16, %dma_start3A_373] : memref<1536x16xi32, #tpu.memory_space<hbm>> -> memref<1x16xi32, #tpu.memory_space<hbm>>
        %dma_start3A_375 = tpu.memref_squeeze %dma_start3A_374 : memref<1x16xi32, #tpu.memory_space<hbm>> -> memref<16xi32, #tpu.memory_space<hbm>>
        tpu.enqueue_dma source(%dma_start3A_375 : memref<16xi32, #tpu.memory_space<hbm>>) target(%arg7 : memref<16xi32, #tpu.memory_space<vmem>>) target_semaphore(%run_scoped3A : memref<!tpu.dma_semaphore, #tpu.memory_space<semaphore_mem>>)
        %dma_wait3A = arith.constant 0 : i32
        %dma_wait3A_376 = tpu.memref_slice %arg3[%add3A_16, %dma_wait3A] : memref<1536x16xi32, #tpu.memory_space<hbm>> -> memref<1x16xi32, #tpu.memory_space<hbm>>
        %dma_wait3A_377 = tpu.memref_squeeze %dma_wait3A_376 : memref<1x16xi32, #tpu.memory_space<hbm>> -> memref<16xi32, #tpu.memory_space<hbm>>
        %dma_wait3A_378 = arith.constant 0 : i32
        %dma_wait3A_379 = tpu.memref_slice %arg3[%add3A_16, %dma_wait3A_378] : memref<1536x16xi32, #tpu.memory_space<hbm>> -> memref<1x16xi32, #tpu.memory_space<hbm>>
        %dma_wait3A_380 = tpu.memref_squeeze %dma_wait3A_379 : memref<1x16xi32, #tpu.memory_space<hbm>> -> memref<16xi32, #tpu.memory_space<hbm>>
        tpu.wait_dma2 semaphore(%run_scoped3A : memref<!tpu.dma_semaphore, #tpu.memory_space<semaphore_mem>>) src(%dma_wait3A_380 : memref<16xi32, #tpu.memory_space<hbm>>) dst(%arg7 : memref<16xi32, #tpu.memory_space<vmem>>)
        tpu.yield
      }) : () -> ()
      %get3A = arith.constant 0 : index
      %get3A_17 = tpu.vector_load %arg7[%get3A] {strides = array<i32>} : memref<16xi32, #tpu.memory_space<vmem>>, vector<16xi32>,
      %mul3A_18 = arith.constant 512 : i32
      %mul3A_19 = arith.muli %add3A_16, %mul3A_18 : i32
      %add3A_20 = vector.broadcast %mul3A_19 : i32 to vector<16xi32>
      %add3A_21 = arith.addi %get3A_17, %add3A_20 : vector<16xi32>
      "tpu.region"() ({
        %run_scoped3A = tpu.sem_alloc : memref<!tpu.dma_semaphore, #tpu.memory_space<semaphore_mem>>
        %dma_start3A = arith.constant 0 : i32
        %dma_start3A_371 = arith.constant 0 : i32
        %dma_start3A_372 = tpu.memref_slice %arg2[%dma_start3A, %dma_start3A_371] : memref<786432x128xf32, #tpu.memory_space<hbm>> -> memref<786432x128xf32, #tpu.memory_space<hbm>>
        tpu.enqueue_indirect_dma source(%dma_start3A_372 : memref<786432x128xf32, #tpu.memory_space<hbm>>) target(%arg6 : memref<16x128xf32, #tpu.memory_space<vmem>>) offsets(%add3A_21 : vector<16xi32>) semaphore(%run_scoped3A : memref<!tpu.dma_semaphore, #tpu.memory_space<semaphore_mem>>)
        %dma_wait3A = arith.constant 0 : i32
        %dma_wait3A_373 = arith.constant 0 : i32
        %dma_wait3A_374 = tpu.memref_slice %arg2[%dma_wait3A, %dma_wait3A_373] : memref<786432x128xf32, #tpu.memory_space<hbm>> -> memref<786432x128xf32, #tpu.memory_space<hbm>>
        tpu.wait_indirect_dma semaphore(%run_scoped3A : memref<!tpu.dma_semaphore, #tpu.memory_space<semaphore_mem>>) src(%dma_wait3A_374 : memref<786432x128xf32, #tpu.memory_space<hbm>>) dst(%arg6 : memref<16x128xf32, #tpu.memory_space<vmem>>)
        tpu.yield
      }) : () -> ()
      %broadcast_in_dim3A_22 = arith.constant -3.000000e+38 : f32
      %broadcast_in_dim3A_23 = vector.broadcast %broadcast_in_dim3A_22 : f32 to vector<16xf32>
      %broadcast_in_dim3A_24 = arith.constant 0 : i32
      %broadcast_in_dim3A_25 = vector.broadcast %broadcast_in_dim3A_24 : i32 to vector<16xi32>
      %broadcast_in_dim3A_26 = arith.constant 0 : i32
      %broadcast_in_dim3A_27 = vector.broadcast %broadcast_in_dim3A_26 : i32 to vector<16xi32>
      %lt3A = arith.constant 0 : i32
      %lt3A_28 = vector.broadcast %lt3A : i32 to vector<16xi32>
      %lt3A_29 = arith.cmpi slt, %broadcast_in_dim3A_27, %lt3A_28 : vector<16xi32>
      %add3A_30 = arith.constant 16 : i32
      %add3A_31 = vector.broadcast %add3A_30 : i32 to vector<16xi32>
      %add3A_32 = arith.addi %broadcast_in_dim3A_27, %add3A_31 : vector<16xi32>
      %select_n3A = arith.select %lt3A_29, %add3A_32, %broadcast_in_dim3A_27 : vector<16xi1>, vector<16xi32>
      %broadcast_in_dim3A_33 = vector.shape_cast %select_n3A : vector<16xi32> to vector<16x1xi32>
      %gather3A = vector.shape_cast %broadcast_in_dim3A_33 : vector<16x1xi32> to vector<16xi32>
      %gather3A_34 = tpu.dynamic_gather %get3A_17[%gather3A] in [0] : vector<16xi32>, vector<16xi32> -> vector<16xi32>
      %mul3A_35 = arith.constant 128 : i32
      %mul3A_36 = vector.broadcast %mul3A_35 : i32 to vector<16xi32>
      %mul3A_37 = arith.muli %gather3A_34, %mul3A_36 : vector<16xi32>
      %scan3A_38 = arith.constant 0 : i32
      %scan3A_39 = arith.constant 8 : i32
      %scan3A_40 = arith.addi %scan3A_38, %scan3A_39 : i32
      %scan3A_41 = arith.constant 1 : i32
      %scan3A_42:2 = scf.for %scan3A_371 = %scan3A_38 to %scan3A_40 step %scan3A_41 iter_args(%scan3A_372 = %broadcast_in_dim3A_23, %scan3A_373 = %broadcast_in_dim3A_25) -> (vector<16xf32>, vector<16xi32>)  : i32 {
        %mul3A_374 = arith.constant 16 : i32
        %mul3A_375 = arith.muli %scan3A_371, %mul3A_374 : i32
        %get3A_376 = arith.constant 0 : i32
        %get3A_377 = arith.index_cast %get3A_376 : i32 to index
        %get3A_378 = arith.index_cast %mul3A_375 : i32 to index
        %get3A_379 = tpu.vector_load %arg6[%get3A_377, %get3A_378] {strides = array<i32>} : memref<16x128xf32, #tpu.memory_space<vmem>>, vector<16xf32>,
        %mul3A_380 = arith.constant 16 : i32
        %mul3A_381 = arith.muli %scan3A_371, %mul3A_380 : i32
        %add3A_382 = vector.broadcast %mul3A_381 : i32 to vector<16xi32>
        %add3A_383 = arith.addi %mul3A_37, %add3A_382 : vector<16xi32>
        %add3A_384 = arith.addi %add3A_383, %iota3A : vector<16xi32>
        %masked_sort3A = arith.constant dense<true> : vector<16xi1>
        %masked_sort3A_385, %masked_sort3A_386, %masked_sort3A_387 = tpu.sort %get3A_379, %add3A_384 masked %masked_sort3A {descending = true} : (vector<16xf32>, vector<16xi32>, vector<16xi1>) -> (vector<16xi1>, vector<16xf32>, vector<16xi32>)
        %rev3A = arith.constant 15 : i32
        %rev3A_388 = vector.broadcast %rev3A : i32 to vector<16xi32>
        %rev3A_389 = tpu.iota {dimensions = array<i32: 0>} : vector<16xi32>
        %rev3A_390 = arith.subi %rev3A_388, %rev3A_389 : vector<16xi32>
        %rev3A_391 = tpu.dynamic_gather %masked_sort3A_386[%rev3A_390] in [0] : vector<16xf32>, vector<16xi32> -> vector<16xf32>
        %rev3A_392 = arith.constant 15 : i32
        %rev3A_393 = vector.broadcast %rev3A_392 : i32 to vector<16xi32>
        %rev3A_394 = tpu.iota {dimensions = array<i32: 0>} : vector<16xi32>
        %rev3A_395 = arith.subi %rev3A_393, %rev3A_394 : vector<16xi32>
        %rev3A_396 = tpu.dynamic_gather %masked_sort3A_387[%rev3A_395] in [0] : vector<16xi32>, vector<16xi32> -> vector<16xi32>
        %ge3A = arith.cmpf oge, %scan3A_372, %rev3A_391 : vector<16xf32>
        %select_n3A_397 = arith.select %ge3A, %scan3A_372, %rev3A_391 : vector<16xi1>, vector<16xf32>
        %select_n3A_398 = arith.select %ge3A, %scan3A_373, %rev3A_396 : vector<16xi1>, vector<16xi32>
        %masked_sort3A_399 = arith.constant dense<true> : vector<16xi1>
        %masked_sort3A_400, %masked_sort3A_401, %masked_sort3A_402 = tpu.sort %select_n3A_397, %select_n3A_398 masked %masked_sort3A_399 {descending = true} : (vector<16xf32>, vector<16xi32>, vector<16xi1>) -> (vector<16xi1>, vector<16xf32>, vector<16xi32>)
        scf.yield %masked_sort3A_401, %masked_sort3A_402 : vector<16xf32>, vector<16xi32>
      }
      %scan3A_43 = arith.constant 8 : i32
      %broadcast_in_dim3A_44 = arith.constant 1 : i32
      %broadcast_in_dim3A_45 = vector.broadcast %broadcast_in_dim3A_44 : i32 to vector<16xi32>
      %lt3A_46 = arith.constant 0 : i32
      %lt3A_47 = vector.broadcast %lt3A_46 : i32 to vector<16xi32>
      %lt3A_48 = arith.cmpi slt, %broadcast_in_dim3A_45, %lt3A_47 : vector<16xi32>
      %add3A_49 = arith.constant 16 : i32
      %add3A_50 = vector.broadcast %add3A_49 : i32 to vector<16xi32>
      %add3A_51 = arith.addi %broadcast_in_dim3A_45, %add3A_50 : vector<16xi32>
      %select_n3A_52 = arith.select %lt3A_48, %add3A_51, %broadcast_in_dim3A_45 : vector<16xi1>, vector<16xi32>
      %broadcast_in_dim3A_53 = vector.shape_cast %select_n3A_52 : vector<16xi32> to vector<16x1xi32>
      %gather3A_54 = vector.shape_cast %broadcast_in_dim3A_53 : vector<16x1xi32> to vector<16xi32>
      %gather3A_55 = tpu.dynamic_gather %get3A_17[%gather3A_54] in [0] : vector<16xi32>, vector<16xi32> -> vector<16xi32>
      %mul3A_56 = arith.constant 128 : i32
      %mul3A_57 = vector.broadcast %mul3A_56 : i32 to vector<16xi32>
      %mul3A_58 = arith.muli %gather3A_55, %mul3A_57 : vector<16xi32>
      %scan3A_59 = arith.constant 0 : i32
      %scan3A_60 = arith.constant 8 : i32
      %scan3A_61 = arith.addi %scan3A_59, %scan3A_60 : i32
      %scan3A_62 = arith.constant 1 : i32
      %scan3A_63:2 = scf.for %scan3A_371 = %scan3A_59 to %scan3A_61 step %scan3A_62 iter_args(%scan3A_372 = %scan3A_42#0, %scan3A_373 = %scan3A_42#1) -> (vector<16xf32>, vector<16xi32>)  : i32 {
        %mul3A_374 = arith.constant 16 : i32
        %mul3A_375 = arith.muli %scan3A_371, %mul3A_374 : i32
        %get3A_376 = arith.constant 1 : i32
        %get3A_377 = arith.index_cast %get3A_376 : i32 to index
        %get3A_378 = arith.index_cast %mul3A_375 : i32 to index
        %get3A_379 = tpu.vector_load %arg6[%get3A_377, %get3A_378] {strides = array<i32>} : memref<16x128xf32, #tpu.memory_space<vmem>>, vector<16xf32>,
        %mul3A_380 = arith.constant 16 : i32
        %mul3A_381 = arith.muli %scan3A_371, %mul3A_380 : i32
        %add3A_382 = vector.broadcast %mul3A_381 : i32 to vector<16xi32>
        %add3A_383 = arith.addi %mul3A_58, %add3A_382 : vector<16xi32>
        %add3A_384 = arith.addi %add3A_383, %iota3A : vector<16xi32>
        %masked_sort3A = arith.constant dense<true> : vector<16xi1>
        %masked_sort3A_385, %masked_sort3A_386, %masked_sort3A_387 = tpu.sort %get3A_379, %add3A_384 masked %masked_sort3A {descending = true} : (vector<16xf32>, vector<16xi32>, vector<16xi1>) -> (vector<16xi1>, vector<16xf32>, vector<16xi32>)
        %rev3A = arith.constant 15 : i32
        %rev3A_388 = vector.broadcast %rev3A : i32 to vector<16xi32>
        %rev3A_389 = tpu.iota {dimensions = array<i32: 0>} : vector<16xi32>
        %rev3A_390 = arith.subi %rev3A_388, %rev3A_389 : vector<16xi32>
        %rev3A_391 = tpu.dynamic_gather %masked_sort3A_386[%rev3A_390] in [0] : vector<16xf32>, vector<16xi32> -> vector<16xf32>
        %rev3A_392 = arith.constant 15 : i32
        %rev3A_393 = vector.broadcast %rev3A_392 : i32 to vector<16xi32>
        %rev3A_394 = tpu.iota {dimensions = array<i32: 0>} : vector<16xi32>
        %rev3A_395 = arith.subi %rev3A_393, %rev3A_394 : vector<16xi32>
        %rev3A_396 = tpu.dynamic_gather %masked_sort3A_387[%rev3A_395] in [0] : vector<16xi32>, vector<16xi32> -> vector<16xi32>
        %ge3A = arith.cmpf oge, %scan3A_372, %rev3A_391 : vector<16xf32>
        %select_n3A_397 = arith.select %ge3A, %scan3A_372, %rev3A_391 : vector<16xi1>, vector<16xf32>
        %select_n3A_398 = arith.select %ge3A, %scan3A_373, %rev3A_396 : vector<16xi1>, vector<16xi32>
        %masked_sort3A_399 = arith.constant dense<true> : vector<16xi1>
        %masked_sort3A_400, %masked_sort3A_401, %masked_sort3A_402 = tpu.sort %select_n3A_397, %select_n3A_398 masked %masked_sort3A_399 {descending = true} : (vector<16xf32>, vector<16xi32>, vector<16xi1>) -> (vector<16xi1>, vector<16xf32>, vector<16xi32>)
        scf.yield %masked_sort3A_401, %masked_sort3A_402 : vector<16xf32>, vector<16xi32>
      }
      %scan3A_64 = arith.constant 8 : i32
      %broadcast_in_dim3A_65 = arith.constant 2 : i32
      %broadcast_in_dim3A_66 = vector.broadcast %broadcast_in_dim3A_65 : i32 to vector<16xi32>
      %lt3A_67 = arith.constant 0 : i32
      %lt3A_68 = vector.broadcast %lt3A_67 : i32 to vector<16xi32>
      %lt3A_69 = arith.cmpi slt, %broadcast_in_dim3A_66, %lt3A_68 : vector<16xi32>
      %add3A_70 = arith.constant 16 : i32
      %add3A_71 = vector.broadcast %add3A_70 : i32 to vector<16xi32>
      %add3A_72 = arith.addi %broadcast_in_dim3A_66, %add3A_71 : vector<16xi32>
      %select_n3A_73 = arith.select %lt3A_69, %add3A_72, %broadcast_in_dim3A_66 : vector<16xi1>, vector<16xi32>
      %broadcast_in_dim3A_74 = vector.shape_cast %select_n3A_73 : vector<16xi32> to vector<16x1xi32>
      %gather3A_75 = vector.shape_cast %broadcast_in_dim3A_74 : vector<16x1xi32> to vector<16xi32>
      %gather3A_76 = tpu.dynamic_gather %get3A_17[%gather3A_75] in [0] : vector<16xi32>, vector<16xi32> -> vector<16xi32>
      %mul3A_77 = arith.constant 128 : i32
      %mul3A_78 = vector.broadcast %mul3A_77 : i32 to vector<16xi32>
      %mul3A_79 = arith.muli %gather3A_76, %mul3A_78 : vector<16xi32>
      %scan3A_80 = arith.constant 0 : i32
      %scan3A_81 = arith.constant 8 : i32
      %scan3A_82 = arith.addi %scan3A_80, %scan3A_81 : i32
      %scan3A_83 = arith.constant 1 : i32
      %scan3A_84:2 = scf.for %scan3A_371 = %scan3A_80 to %scan3A_82 step %scan3A_83 iter_args(%scan3A_372 = %scan3A_63#0, %scan3A_373 = %scan3A_63#1) -> (vector<16xf32>, vector<16xi32>)  : i32 {
        %mul3A_374 = arith.constant 16 : i32
        %mul3A_375 = arith.muli %scan3A_371, %mul3A_374 : i32
        %get3A_376 = arith.constant 2 : i32
        %get3A_377 = arith.index_cast %get3A_376 : i32 to index
        %get3A_378 = arith.index_cast %mul3A_375 : i32 to index
        %get3A_379 = tpu.vector_load %arg6[%get3A_377, %get3A_378] {strides = array<i32>} : memref<16x128xf32, #tpu.memory_space<vmem>>, vector<16xf32>,
        %mul3A_380 = arith.constant 16 : i32
        %mul3A_381 = arith.muli %scan3A_371, %mul3A_380 : i32
        %add3A_382 = vector.broadcast %mul3A_381 : i32 to vector<16xi32>
        %add3A_383 = arith.addi %mul3A_79, %add3A_382 : vector<16xi32>
        %add3A_384 = arith.addi %add3A_383, %iota3A : vector<16xi32>
        %masked_sort3A = arith.constant dense<true> : vector<16xi1>
        %masked_sort3A_385, %masked_sort3A_386, %masked_sort3A_387 = tpu.sort %get3A_379, %add3A_384 masked %masked_sort3A {descending = true} : (vector<16xf32>, vector<16xi32>, vector<16xi1>) -> (vector<16xi1>, vector<16xf32>, vector<16xi32>)
        %rev3A = arith.constant 15 : i32
        %rev3A_388 = vector.broadcast %rev3A : i32 to vector<16xi32>
        %rev3A_389 = tpu.iota {dimensions = array<i32: 0>} : vector<16xi32>
        %rev3A_390 = arith.subi %rev3A_388, %rev3A_389 : vector<16xi32>
        %rev3A_391 = tpu.dynamic_gather %masked_sort3A_386[%rev3A_390] in [0] : vector<16xf32>, vector<16xi32> -> vector<16xf32>
        %rev3A_392 = arith.constant 15 : i32
        %rev3A_393 = vector.broadcast %rev3A_392 : i32 to vector<16xi32>
        %rev3A_394 = tpu.iota {dimensions = array<i32: 0>} : vector<16xi32>
        %rev3A_395 = arith.subi %rev3A_393, %rev3A_394 : vector<16xi32>
        %rev3A_396 = tpu.dynamic_gather %masked_sort3A_387[%rev3A_395] in [0] : vector<16xi32>, vector<16xi32> -> vector<16xi32>
        %ge3A = arith.cmpf oge, %scan3A_372, %rev3A_391 : vector<16xf32>
        %select_n3A_397 = arith.select %ge3A, %scan3A_372, %rev3A_391 : vector<16xi1>, vector<16xf32>
        %select_n3A_398 = arith.select %ge3A, %scan3A_373, %rev3A_396 : vector<16xi1>, vector<16xi32>
        %masked_sort3A_399 = arith.constant dense<true> : vector<16xi1>
        %masked_sort3A_400, %masked_sort3A_401, %masked_sort3A_402 = tpu.sort %select_n3A_397, %select_n3A_398 masked %masked_sort3A_399 {descending = true} : (vector<16xf32>, vector<16xi32>, vector<16xi1>) -> (vector<16xi1>, vector<16xf32>, vector<16xi32>)
        scf.yield %masked_sort3A_401, %masked_sort3A_402 : vector<16xf32>, vector<16xi32>
      }
      %scan3A_85 = arith.constant 8 : i32
      %broadcast_in_dim3A_86 = arith.constant 3 : i32
      %broadcast_in_dim3A_87 = vector.broadcast %broadcast_in_dim3A_86 : i32 to vector<16xi32>
      %lt3A_88 = arith.constant 0 : i32
      %lt3A_89 = vector.broadcast %lt3A_88 : i32 to vector<16xi32>
      %lt3A_90 = arith.cmpi slt, %broadcast_in_dim3A_87, %lt3A_89 : vector<16xi32>
      %add3A_91 = arith.constant 16 : i32
      %add3A_92 = vector.broadcast %add3A_91 : i32 to vector<16xi32>
      %add3A_93 = arith.addi %broadcast_in_dim3A_87, %add3A_92 : vector<16xi32>
      %select_n3A_94 = arith.select %lt3A_90, %add3A_93, %broadcast_in_dim3A_87 : vector<16xi1>, vector<16xi32>
      %broadcast_in_dim3A_95 = vector.shape_cast %select_n3A_94 : vector<16xi32> to vector<16x1xi32>
      %gather3A_96 = vector.shape_cast %broadcast_in_dim3A_95 : vector<16x1xi32> to vector<16xi32>
      %gather3A_97 = tpu.dynamic_gather %get3A_17[%gather3A_96] in [0] : vector<16xi32>, vector<16xi32> -> vector<16xi32>
      %mul3A_98 = arith.constant 128 : i32
      %mul3A_99 = vector.broadcast %mul3A_98 : i32 to vector<16xi32>
      %mul3A_100 = arith.muli %gather3A_97, %mul3A_99 : vector<16xi32>
      %scan3A_101 = arith.constant 0 : i32
      %scan3A_102 = arith.constant 8 : i32
      %scan3A_103 = arith.addi %scan3A_101, %scan3A_102 : i32
      %scan3A_104 = arith.constant 1 : i32
      %scan3A_105:2 = scf.for %scan3A_371 = %scan3A_101 to %scan3A_103 step %scan3A_104 iter_args(%scan3A_372 = %scan3A_84#0, %scan3A_373 = %scan3A_84#1) -> (vector<16xf32>, vector<16xi32>)  : i32 {
        %mul3A_374 = arith.constant 16 : i32
        %mul3A_375 = arith.muli %scan3A_371, %mul3A_374 : i32
        %get3A_376 = arith.constant 3 : i32
        %get3A_377 = arith.index_cast %get3A_376 : i32 to index
        %get3A_378 = arith.index_cast %mul3A_375 : i32 to index
        %get3A_379 = tpu.vector_load %arg6[%get3A_377, %get3A_378] {strides = array<i32>} : memref<16x128xf32, #tpu.memory_space<vmem>>, vector<16xf32>,
        %mul3A_380 = arith.constant 16 : i32
        %mul3A_381 = arith.muli %scan3A_371, %mul3A_380 : i32
        %add3A_382 = vector.broadcast %mul3A_381 : i32 to vector<16xi32>
        %add3A_383 = arith.addi %mul3A_100, %add3A_382 : vector<16xi32>
        %add3A_384 = arith.addi %add3A_383, %iota3A : vector<16xi32>
        %masked_sort3A = arith.constant dense<true> : vector<16xi1>
        %masked_sort3A_385, %masked_sort3A_386, %masked_sort3A_387 = tpu.sort %get3A_379, %add3A_384 masked %masked_sort3A {descending = true} : (vector<16xf32>, vector<16xi32>, vector<16xi1>) -> (vector<16xi1>, vector<16xf32>, vector<16xi32>)
        %rev3A = arith.constant 15 : i32
        %rev3A_388 = vector.broadcast %rev3A : i32 to vector<16xi32>
        %rev3A_389 = tpu.iota {dimensions = array<i32: 0>} : vector<16xi32>
        %rev3A_390 = arith.subi %rev3A_388, %rev3A_389 : vector<16xi32>
        %rev3A_391 = tpu.dynamic_gather %masked_sort3A_386[%rev3A_390] in [0] : vector<16xf32>, vector<16xi32> -> vector<16xf32>
        %rev3A_392 = arith.constant 15 : i32
        %rev3A_393 = vector.broadcast %rev3A_392 : i32 to vector<16xi32>
        %rev3A_394 = tpu.iota {dimensions = array<i32: 0>} : vector<16xi32>
        %rev3A_395 = arith.subi %rev3A_393, %rev3A_394 : vector<16xi32>
        %rev3A_396 = tpu.dynamic_gather %masked_sort3A_387[%rev3A_395] in [0] : vector<16xi32>, vector<16xi32> -> vector<16xi32>
        %ge3A = arith.cmpf oge, %scan3A_372, %rev3A_391 : vector<16xf32>
        %select_n3A_397 = arith.select %ge3A, %scan3A_372, %rev3A_391 : vector<16xi1>, vector<16xf32>
        %select_n3A_398 = arith.select %ge3A, %scan3A_373, %rev3A_396 : vector<16xi1>, vector<16xi32>
        %masked_sort3A_399 = arith.constant dense<true> : vector<16xi1>
        %masked_sort3A_400, %masked_sort3A_401, %masked_sort3A_402 = tpu.sort %select_n3A_397, %select_n3A_398 masked %masked_sort3A_399 {descending = true} : (vector<16xf32>, vector<16xi32>, vector<16xi1>) -> (vector<16xi1>, vector<16xf32>, vector<16xi32>)
        scf.yield %masked_sort3A_401, %masked_sort3A_402 : vector<16xf32>, vector<16xi32>
      }
      %scan3A_106 = arith.constant 8 : i32
      %broadcast_in_dim3A_107 = arith.constant 4 : i32
      %broadcast_in_dim3A_108 = vector.broadcast %broadcast_in_dim3A_107 : i32 to vector<16xi32>
      %lt3A_109 = arith.constant 0 : i32
      %lt3A_110 = vector.broadcast %lt3A_109 : i32 to vector<16xi32>
      %lt3A_111 = arith.cmpi slt, %broadcast_in_dim3A_108, %lt3A_110 : vector<16xi32>
      %add3A_112 = arith.constant 16 : i32
      %add3A_113 = vector.broadcast %add3A_112 : i32 to vector<16xi32>
      %add3A_114 = arith.addi %broadcast_in_dim3A_108, %add3A_113 : vector<16xi32>
      %select_n3A_115 = arith.select %lt3A_111, %add3A_114, %broadcast_in_dim3A_108 : vector<16xi1>, vector<16xi32>
      %broadcast_in_dim3A_116 = vector.shape_cast %select_n3A_115 : vector<16xi32> to vector<16x1xi32>
      %gather3A_117 = vector.shape_cast %broadcast_in_dim3A_116 : vector<16x1xi32> to vector<16xi32>
      %gather3A_118 = tpu.dynamic_gather %get3A_17[%gather3A_117] in [0] : vector<16xi32>, vector<16xi32> -> vector<16xi32>
      %mul3A_119 = arith.constant 128 : i32
      %mul3A_120 = vector.broadcast %mul3A_119 : i32 to vector<16xi32>
      %mul3A_121 = arith.muli %gather3A_118, %mul3A_120 : vector<16xi32>
      %scan3A_122 = arith.constant 0 : i32
      %scan3A_123 = arith.constant 8 : i32
      %scan3A_124 = arith.addi %scan3A_122, %scan3A_123 : i32
      %scan3A_125 = arith.constant 1 : i32
      %scan3A_126:2 = scf.for %scan3A_371 = %scan3A_122 to %scan3A_124 step %scan3A_125 iter_args(%scan3A_372 = %scan3A_105#0, %scan3A_373 = %scan3A_105#1) -> (vector<16xf32>, vector<16xi32>)  : i32 {
        %mul3A_374 = arith.constant 16 : i32
        %mul3A_375 = arith.muli %scan3A_371, %mul3A_374 : i32
        %get3A_376 = arith.constant 4 : i32
        %get3A_377 = arith.index_cast %get3A_376 : i32 to index
        %get3A_378 = arith.index_cast %mul3A_375 : i32 to index
        %get3A_379 = tpu.vector_load %arg6[%get3A_377, %get3A_378] {strides = array<i32>} : memref<16x128xf32, #tpu.memory_space<vmem>>, vector<16xf32>,
        %mul3A_380 = arith.constant 16 : i32
        %mul3A_381 = arith.muli %scan3A_371, %mul3A_380 : i32
        %add3A_382 = vector.broadcast %mul3A_381 : i32 to vector<16xi32>
        %add3A_383 = arith.addi %mul3A_121, %add3A_382 : vector<16xi32>
        %add3A_384 = arith.addi %add3A_383, %iota3A : vector<16xi32>
        %masked_sort3A = arith.constant dense<true> : vector<16xi1>
        %masked_sort3A_385, %masked_sort3A_386, %masked_sort3A_387 = tpu.sort %get3A_379, %add3A_384 masked %masked_sort3A {descending = true} : (vector<16xf32>, vector<16xi32>, vector<16xi1>) -> (vector<16xi1>, vector<16xf32>, vector<16xi32>)
        %rev3A = arith.constant 15 : i32
        %rev3A_388 = vector.broadcast %rev3A : i32 to vector<16xi32>
        %rev3A_389 = tpu.iota {dimensions = array<i32: 0>} : vector<16xi32>
        %rev3A_390 = arith.subi %rev3A_388, %rev3A_389 : vector<16xi32>
        %rev3A_391 = tpu.dynamic_gather %masked_sort3A_386[%rev3A_390] in [0] : vector<16xf32>, vector<16xi32> -> vector<16xf32>
        %rev3A_392 = arith.constant 15 : i32
        %rev3A_393 = vector.broadcast %rev3A_392 : i32 to vector<16xi32>
        %rev3A_394 = tpu.iota {dimensions = array<i32: 0>} : vector<16xi32>
        %rev3A_395 = arith.subi %rev3A_393, %rev3A_394 : vector<16xi32>
        %rev3A_396 = tpu.dynamic_gather %masked_sort3A_387[%rev3A_395] in [0] : vector<16xi32>, vector<16xi32> -> vector<16xi32>
        %ge3A = arith.cmpf oge, %scan3A_372, %rev3A_391 : vector<16xf32>
        %select_n3A_397 = arith.select %ge3A, %scan3A_372, %rev3A_391 : vector<16xi1>, vector<16xf32>
        %select_n3A_398 = arith.select %ge3A, %scan3A_373, %rev3A_396 : vector<16xi1>, vector<16xi32>
        %masked_sort3A_399 = arith.constant dense<true> : vector<16xi1>
        %masked_sort3A_400, %masked_sort3A_401, %masked_sort3A_402 = tpu.sort %select_n3A_397, %select_n3A_398 masked %masked_sort3A_399 {descending = true} : (vector<16xf32>, vector<16xi32>, vector<16xi1>) -> (vector<16xi1>, vector<16xf32>, vector<16xi32>)
        scf.yield %masked_sort3A_401, %masked_sort3A_402 : vector<16xf32>, vector<16xi32>
      }
      %scan3A_127 = arith.constant 8 : i32
      %broadcast_in_dim3A_128 = arith.constant 5 : i32
      %broadcast_in_dim3A_129 = vector.broadcast %broadcast_in_dim3A_128 : i32 to vector<16xi32>
      %lt3A_130 = arith.constant 0 : i32
      %lt3A_131 = vector.broadcast %lt3A_130 : i32 to vector<16xi32>
      %lt3A_132 = arith.cmpi slt, %broadcast_in_dim3A_129, %lt3A_131 : vector<16xi32>
      %add3A_133 = arith.constant 16 : i32
      %add3A_134 = vector.broadcast %add3A_133 : i32 to vector<16xi32>
      %add3A_135 = arith.addi %broadcast_in_dim3A_129, %add3A_134 : vector<16xi32>
      %select_n3A_136 = arith.select %lt3A_132, %add3A_135, %broadcast_in_dim3A_129 : vector<16xi1>, vector<16xi32>
      %broadcast_in_dim3A_137 = vector.shape_cast %select_n3A_136 : vector<16xi32> to vector<16x1xi32>
      %gather3A_138 = vector.shape_cast %broadcast_in_dim3A_137 : vector<16x1xi32> to vector<16xi32>
      %gather3A_139 = tpu.dynamic_gather %get3A_17[%gather3A_138] in [0] : vector<16xi32>, vector<16xi32> -> vector<16xi32>
      %mul3A_140 = arith.constant 128 : i32
      %mul3A_141 = vector.broadcast %mul3A_140 : i32 to vector<16xi32>
      %mul3A_142 = arith.muli %gather3A_139, %mul3A_141 : vector<16xi32>
      %scan3A_143 = arith.constant 0 : i32
      %scan3A_144 = arith.constant 8 : i32
      %scan3A_145 = arith.addi %scan3A_143, %scan3A_144 : i32
      %scan3A_146 = arith.constant 1 : i32
      %scan3A_147:2 = scf.for %scan3A_371 = %scan3A_143 to %scan3A_145 step %scan3A_146 iter_args(%scan3A_372 = %scan3A_126#0, %scan3A_373 = %scan3A_126#1) -> (vector<16xf32>, vector<16xi32>)  : i32 {
        %mul3A_374 = arith.constant 16 : i32
        %mul3A_375 = arith.muli %scan3A_371, %mul3A_374 : i32
        %get3A_376 = arith.constant 5 : i32
        %get3A_377 = arith.index_cast %get3A_376 : i32 to index
        %get3A_378 = arith.index_cast %mul3A_375 : i32 to index
        %get3A_379 = tpu.vector_load %arg6[%get3A_377, %get3A_378] {strides = array<i32>} : memref<16x128xf32, #tpu.memory_space<vmem>>, vector<16xf32>,
        %mul3A_380 = arith.constant 16 : i32
        %mul3A_381 = arith.muli %scan3A_371, %mul3A_380 : i32
        %add3A_382 = vector.broadcast %mul3A_381 : i32 to vector<16xi32>
        %add3A_383 = arith.addi %mul3A_142, %add3A_382 : vector<16xi32>
        %add3A_384 = arith.addi %add3A_383, %iota3A : vector<16xi32>
        %masked_sort3A = arith.constant dense<true> : vector<16xi1>
        %masked_sort3A_385, %masked_sort3A_386, %masked_sort3A_387 = tpu.sort %get3A_379, %add3A_384 masked %masked_sort3A {descending = true} : (vector<16xf32>, vector<16xi32>, vector<16xi1>) -> (vector<16xi1>, vector<16xf32>, vector<16xi32>)
        %rev3A = arith.constant 15 : i32
        %rev3A_388 = vector.broadcast %rev3A : i32 to vector<16xi32>
        %rev3A_389 = tpu.iota {dimensions = array<i32: 0>} : vector<16xi32>
        %rev3A_390 = arith.subi %rev3A_388, %rev3A_389 : vector<16xi32>
        %rev3A_391 = tpu.dynamic_gather %masked_sort3A_386[%rev3A_390] in [0] : vector<16xf32>, vector<16xi32> -> vector<16xf32>
        %rev3A_392 = arith.constant 15 : i32
        %rev3A_393 = vector.broadcast %rev3A_392 : i32 to vector<16xi32>
        %rev3A_394 = tpu.iota {dimensions = array<i32: 0>} : vector<16xi32>
        %rev3A_395 = arith.subi %rev3A_393, %rev3A_394 : vector<16xi32>
        %rev3A_396 = tpu.dynamic_gather %masked_sort3A_387[%rev3A_395] in [0] : vector<16xi32>, vector<16xi32> -> vector<16xi32>
        %ge3A = arith.cmpf oge, %scan3A_372, %rev3A_391 : vector<16xf32>
        %select_n3A_397 = arith.select %ge3A, %scan3A_372, %rev3A_391 : vector<16xi1>, vector<16xf32>
        %select_n3A_398 = arith.select %ge3A, %scan3A_373, %rev3A_396 : vector<16xi1>, vector<16xi32>
        %masked_sort3A_399 = arith.constant dense<true> : vector<16xi1>
        %masked_sort3A_400, %masked_sort3A_401, %masked_sort3A_402 = tpu.sort %select_n3A_397, %select_n3A_398 masked %masked_sort3A_399 {descending = true} : (vector<16xf32>, vector<16xi32>, vector<16xi1>) -> (vector<16xi1>, vector<16xf32>, vector<16xi32>)
        scf.yield %masked_sort3A_401, %masked_sort3A_402 : vector<16xf32>, vector<16xi32>
      }
      %scan3A_148 = arith.constant 8 : i32
      %broadcast_in_dim3A_149 = arith.constant 6 : i32
      %broadcast_in_dim3A_150 = vector.broadcast %broadcast_in_dim3A_149 : i32 to vector<16xi32>
      %lt3A_151 = arith.constant 0 : i32
      %lt3A_152 = vector.broadcast %lt3A_151 : i32 to vector<16xi32>
      %lt3A_153 = arith.cmpi slt, %broadcast_in_dim3A_150, %lt3A_152 : vector<16xi32>
      %add3A_154 = arith.constant 16 : i32
      %add3A_155 = vector.broadcast %add3A_154 : i32 to vector<16xi32>
      %add3A_156 = arith.addi %broadcast_in_dim3A_150, %add3A_155 : vector<16xi32>
      %select_n3A_157 = arith.select %lt3A_153, %add3A_156, %broadcast_in_dim3A_150 : vector<16xi1>, vector<16xi32>
      %broadcast_in_dim3A_158 = vector.shape_cast %select_n3A_157 : vector<16xi32> to vector<16x1xi32>
      %gather3A_159 = vector.shape_cast %broadcast_in_dim3A_158 : vector<16x1xi32> to vector<16xi32>
      %gather3A_160 = tpu.dynamic_gather %get3A_17[%gather3A_159] in [0] : vector<16xi32>, vector<16xi32> -> vector<16xi32>
      %mul3A_161 = arith.constant 128 : i32
      %mul3A_162 = vector.broadcast %mul3A_161 : i32 to vector<16xi32>
      %mul3A_163 = arith.muli %gather3A_160, %mul3A_162 : vector<16xi32>
      %scan3A_164 = arith.constant 0 : i32
      %scan3A_165 = arith.constant 8 : i32
      %scan3A_166 = arith.addi %scan3A_164, %scan3A_165 : i32
      %scan3A_167 = arith.constant 1 : i32
      %scan3A_168:2 = scf.for %scan3A_371 = %scan3A_164 to %scan3A_166 step %scan3A_167 iter_args(%scan3A_372 = %scan3A_147#0, %scan3A_373 = %scan3A_147#1) -> (vector<16xf32>, vector<16xi32>)  : i32 {
        %mul3A_374 = arith.constant 16 : i32
        %mul3A_375 = arith.muli %scan3A_371, %mul3A_374 : i32
        %get3A_376 = arith.constant 6 : i32
        %get3A_377 = arith.index_cast %get3A_376 : i32 to index
        %get3A_378 = arith.index_cast %mul3A_375 : i32 to index
        %get3A_379 = tpu.vector_load %arg6[%get3A_377, %get3A_378] {strides = array<i32>} : memref<16x128xf32, #tpu.memory_space<vmem>>, vector<16xf32>,
        %mul3A_380 = arith.constant 16 : i32
        %mul3A_381 = arith.muli %scan3A_371, %mul3A_380 : i32
        %add3A_382 = vector.broadcast %mul3A_381 : i32 to vector<16xi32>
        %add3A_383 = arith.addi %mul3A_163, %add3A_382 : vector<16xi32>
        %add3A_384 = arith.addi %add3A_383, %iota3A : vector<16xi32>
        %masked_sort3A = arith.constant dense<true> : vector<16xi1>
        %masked_sort3A_385, %masked_sort3A_386, %masked_sort3A_387 = tpu.sort %get3A_379, %add3A_384 masked %masked_sort3A {descending = true} : (vector<16xf32>, vector<16xi32>, vector<16xi1>) -> (vector<16xi1>, vector<16xf32>, vector<16xi32>)
        %rev3A = arith.constant 15 : i32
        %rev3A_388 = vector.broadcast %rev3A : i32 to vector<16xi32>
        %rev3A_389 = tpu.iota {dimensions = array<i32: 0>} : vector<16xi32>
        %rev3A_390 = arith.subi %rev3A_388, %rev3A_389 : vector<16xi32>
        %rev3A_391 = tpu.dynamic_gather %masked_sort3A_386[%rev3A_390] in [0] : vector<16xf32>, vector<16xi32> -> vector<16xf32>
        %rev3A_392 = arith.constant 15 : i32
        %rev3A_393 = vector.broadcast %rev3A_392 : i32 to vector<16xi32>
        %rev3A_394 = tpu.iota {dimensions = array<i32: 0>} : vector<16xi32>
        %rev3A_395 = arith.subi %rev3A_393, %rev3A_394 : vector<16xi32>
        %rev3A_396 = tpu.dynamic_gather %masked_sort3A_387[%rev3A_395] in [0] : vector<16xi32>, vector<16xi32> -> vector<16xi32>
        %ge3A = arith.cmpf oge, %scan3A_372, %rev3A_391 : vector<16xf32>
        %select_n3A_397 = arith.select %ge3A, %scan3A_372, %rev3A_391 : vector<16xi1>, vector<16xf32>
        %select_n3A_398 = arith.select %ge3A, %scan3A_373, %rev3A_396 : vector<16xi1>, vector<16xi32>
        %masked_sort3A_399 = arith.constant dense<true> : vector<16xi1>
        %masked_sort3A_400, %masked_sort3A_401, %masked_sort3A_402 = tpu.sort %select_n3A_397, %select_n3A_398 masked %masked_sort3A_399 {descending = true} : (vector<16xf32>, vector<16xi32>, vector<16xi1>) -> (vector<16xi1>, vector<16xf32>, vector<16xi32>)
        scf.yield %masked_sort3A_401, %masked_sort3A_402 : vector<16xf32>, vector<16xi32>
      }
      %scan3A_169 = arith.constant 8 : i32
      %broadcast_in_dim3A_170 = arith.constant 7 : i32
      %broadcast_in_dim3A_171 = vector.broadcast %broadcast_in_dim3A_170 : i32 to vector<16xi32>
      %lt3A_172 = arith.constant 0 : i32
      %lt3A_173 = vector.broadcast %lt3A_172 : i32 to vector<16xi32>
      %lt3A_174 = arith.cmpi slt, %broadcast_in_dim3A_171, %lt3A_173 : vector<16xi32>
      %add3A_175 = arith.constant 16 : i32
      %add3A_176 = vector.broadcast %add3A_175 : i32 to vector<16xi32>
      %add3A_177 = arith.addi %broadcast_in_dim3A_171, %add3A_176 : vector<16xi32>
      %select_n3A_178 = arith.select %lt3A_174, %add3A_177, %broadcast_in_dim3A_171 : vector<16xi1>, vector<16xi32>
      %broadcast_in_dim3A_179 = vector.shape_cast %select_n3A_178 : vector<16xi32> to vector<16x1xi32>
      %gather3A_180 = vector.shape_cast %broadcast_in_dim3A_179 : vector<16x1xi32> to vector<16xi32>
      %gather3A_181 = tpu.dynamic_gather %get3A_17[%gather3A_180] in [0] : vector<16xi32>, vector<16xi32> -> vector<16xi32>
      %mul3A_182 = arith.constant 128 : i32
      %mul3A_183 = vector.broadcast %mul3A_182 : i32 to vector<16xi32>
      %mul3A_184 = arith.muli %gather3A_181, %mul3A_183 : vector<16xi32>
      %scan3A_185 = arith.constant 0 : i32
      %scan3A_186 = arith.constant 8 : i32
      %scan3A_187 = arith.addi %scan3A_185, %scan3A_186 : i32
      %scan3A_188 = arith.constant 1 : i32
      %scan3A_189:2 = scf.for %scan3A_371 = %scan3A_185 to %scan3A_187 step %scan3A_188 iter_args(%scan3A_372 = %scan3A_168#0, %scan3A_373 = %scan3A_168#1) -> (vector<16xf32>, vector<16xi32>)  : i32 {
        %mul3A_374 = arith.constant 16 : i32
        %mul3A_375 = arith.muli %scan3A_371, %mul3A_374 : i32
        %get3A_376 = arith.constant 7 : i32
        %get3A_377 = arith.index_cast %get3A_376 : i32 to index
        %get3A_378 = arith.index_cast %mul3A_375 : i32 to index
        %get3A_379 = tpu.vector_load %arg6[%get3A_377, %get3A_378] {strides = array<i32>} : memref<16x128xf32, #tpu.memory_space<vmem>>, vector<16xf32>,
        %mul3A_380 = arith.constant 16 : i32
        %mul3A_381 = arith.muli %scan3A_371, %mul3A_380 : i32
        %add3A_382 = vector.broadcast %mul3A_381 : i32 to vector<16xi32>
        %add3A_383 = arith.addi %mul3A_184, %add3A_382 : vector<16xi32>
        %add3A_384 = arith.addi %add3A_383, %iota3A : vector<16xi32>
        %masked_sort3A = arith.constant dense<true> : vector<16xi1>
        %masked_sort3A_385, %masked_sort3A_386, %masked_sort3A_387 = tpu.sort %get3A_379, %add3A_384 masked %masked_sort3A {descending = true} : (vector<16xf32>, vector<16xi32>, vector<16xi1>) -> (vector<16xi1>, vector<16xf32>, vector<16xi32>)
        %rev3A = arith.constant 15 : i32
        %rev3A_388 = vector.broadcast %rev3A : i32 to vector<16xi32>
        %rev3A_389 = tpu.iota {dimensions = array<i32: 0>} : vector<16xi32>
        %rev3A_390 = arith.subi %rev3A_388, %rev3A_389 : vector<16xi32>
        %rev3A_391 = tpu.dynamic_gather %masked_sort3A_386[%rev3A_390] in [0] : vector<16xf32>, vector<16xi32> -> vector<16xf32>
        %rev3A_392 = arith.constant 15 : i32
        %rev3A_393 = vector.broadcast %rev3A_392 : i32 to vector<16xi32>
        %rev3A_394 = tpu.iota {dimensions = array<i32: 0>} : vector<16xi32>
        %rev3A_395 = arith.subi %rev3A_393, %rev3A_394 : vector<16xi32>
        %rev3A_396 = tpu.dynamic_gather %masked_sort3A_387[%rev3A_395] in [0] : vector<16xi32>, vector<16xi32> -> vector<16xi32>
        %ge3A = arith.cmpf oge, %scan3A_372, %rev3A_391 : vector<16xf32>
        %select_n3A_397 = arith.select %ge3A, %scan3A_372, %rev3A_391 : vector<16xi1>, vector<16xf32>
        %select_n3A_398 = arith.select %ge3A, %scan3A_373, %rev3A_396 : vector<16xi1>, vector<16xi32>
        %masked_sort3A_399 = arith.constant dense<true> : vector<16xi1>
        %masked_sort3A_400, %masked_sort3A_401, %masked_sort3A_402 = tpu.sort %select_n3A_397, %select_n3A_398 masked %masked_sort3A_399 {descending = true} : (vector<16xf32>, vector<16xi32>, vector<16xi1>) -> (vector<16xi1>, vector<16xf32>, vector<16xi32>)
        scf.yield %masked_sort3A_401, %masked_sort3A_402 : vector<16xf32>, vector<16xi32>
      }
      %scan3A_190 = arith.constant 8 : i32
      %broadcast_in_dim3A_191 = arith.constant 8 : i32
      %broadcast_in_dim3A_192 = vector.broadcast %broadcast_in_dim3A_191 : i32 to vector<16xi32>
      %lt3A_193 = arith.constant 0 : i32
      %lt3A_194 = vector.broadcast %lt3A_193 : i32 to vector<16xi32>
      %lt3A_195 = arith.cmpi slt, %broadcast_in_dim3A_192, %lt3A_194 : vector<16xi32>
      %add3A_196 = arith.constant 16 : i32
      %add3A_197 = vector.broadcast %add3A_196 : i32 to vector<16xi32>
      %add3A_198 = arith.addi %broadcast_in_dim3A_192, %add3A_197 : vector<16xi32>
      %select_n3A_199 = arith.select %lt3A_195, %add3A_198, %broadcast_in_dim3A_192 : vector<16xi1>, vector<16xi32>
      %broadcast_in_dim3A_200 = vector.shape_cast %select_n3A_199 : vector<16xi32> to vector<16x1xi32>
      %gather3A_201 = vector.shape_cast %broadcast_in_dim3A_200 : vector<16x1xi32> to vector<16xi32>
      %gather3A_202 = tpu.dynamic_gather %get3A_17[%gather3A_201] in [0] : vector<16xi32>, vector<16xi32> -> vector<16xi32>
      %mul3A_203 = arith.constant 128 : i32
      %mul3A_204 = vector.broadcast %mul3A_203 : i32 to vector<16xi32>
      %mul3A_205 = arith.muli %gather3A_202, %mul3A_204 : vector<16xi32>
      %scan3A_206 = arith.constant 0 : i32
      %scan3A_207 = arith.constant 8 : i32
      %scan3A_208 = arith.addi %scan3A_206, %scan3A_207 : i32
      %scan3A_209 = arith.constant 1 : i32
      %scan3A_210:2 = scf.for %scan3A_371 = %scan3A_206 to %scan3A_208 step %scan3A_209 iter_args(%scan3A_372 = %scan3A_189#0, %scan3A_373 = %scan3A_189#1) -> (vector<16xf32>, vector<16xi32>)  : i32 {
        %mul3A_374 = arith.constant 16 : i32
        %mul3A_375 = arith.muli %scan3A_371, %mul3A_374 : i32
        %get3A_376 = arith.constant 8 : i32
        %get3A_377 = arith.index_cast %get3A_376 : i32 to index
        %get3A_378 = arith.index_cast %mul3A_375 : i32 to index
        %get3A_379 = tpu.vector_load %arg6[%get3A_377, %get3A_378] {strides = array<i32>} : memref<16x128xf32, #tpu.memory_space<vmem>>, vector<16xf32>,
        %mul3A_380 = arith.constant 16 : i32
        %mul3A_381 = arith.muli %scan3A_371, %mul3A_380 : i32
        %add3A_382 = vector.broadcast %mul3A_381 : i32 to vector<16xi32>
        %add3A_383 = arith.addi %mul3A_205, %add3A_382 : vector<16xi32>
        %add3A_384 = arith.addi %add3A_383, %iota3A : vector<16xi32>
        %masked_sort3A = arith.constant dense<true> : vector<16xi1>
        %masked_sort3A_385, %masked_sort3A_386, %masked_sort3A_387 = tpu.sort %get3A_379, %add3A_384 masked %masked_sort3A {descending = true} : (vector<16xf32>, vector<16xi32>, vector<16xi1>) -> (vector<16xi1>, vector<16xf32>, vector<16xi32>)
        %rev3A = arith.constant 15 : i32
        %rev3A_388 = vector.broadcast %rev3A : i32 to vector<16xi32>
        %rev3A_389 = tpu.iota {dimensions = array<i32: 0>} : vector<16xi32>
        %rev3A_390 = arith.subi %rev3A_388, %rev3A_389 : vector<16xi32>
        %rev3A_391 = tpu.dynamic_gather %masked_sort3A_386[%rev3A_390] in [0] : vector<16xf32>, vector<16xi32> -> vector<16xf32>
        %rev3A_392 = arith.constant 15 : i32
        %rev3A_393 = vector.broadcast %rev3A_392 : i32 to vector<16xi32>
        %rev3A_394 = tpu.iota {dimensions = array<i32: 0>} : vector<16xi32>
        %rev3A_395 = arith.subi %rev3A_393, %rev3A_394 : vector<16xi32>
        %rev3A_396 = tpu.dynamic_gather %masked_sort3A_387[%rev3A_395] in [0] : vector<16xi32>, vector<16xi32> -> vector<16xi32>
        %ge3A = arith.cmpf oge, %scan3A_372, %rev3A_391 : vector<16xf32>
        %select_n3A_397 = arith.select %ge3A, %scan3A_372, %rev3A_391 : vector<16xi1>, vector<16xf32>
        %select_n3A_398 = arith.select %ge3A, %scan3A_373, %rev3A_396 : vector<16xi1>, vector<16xi32>
        %masked_sort3A_399 = arith.constant dense<true> : vector<16xi1>
        %masked_sort3A_400, %masked_sort3A_401, %masked_sort3A_402 = tpu.sort %select_n3A_397, %select_n3A_398 masked %masked_sort3A_399 {descending = true} : (vector<16xf32>, vector<16xi32>, vector<16xi1>) -> (vector<16xi1>, vector<16xf32>, vector<16xi32>)
        scf.yield %masked_sort3A_401, %masked_sort3A_402 : vector<16xf32>, vector<16xi32>
      }
      %scan3A_211 = arith.constant 8 : i32
      %broadcast_in_dim3A_212 = arith.constant 9 : i32
      %broadcast_in_dim3A_213 = vector.broadcast %broadcast_in_dim3A_212 : i32 to vector<16xi32>
      %lt3A_214 = arith.constant 0 : i32
      %lt3A_215 = vector.broadcast %lt3A_214 : i32 to vector<16xi32>
      %lt3A_216 = arith.cmpi slt, %broadcast_in_dim3A_213, %lt3A_215 : vector<16xi32>
      %add3A_217 = arith.constant 16 : i32
      %add3A_218 = vector.broadcast %add3A_217 : i32 to vector<16xi32>
      %add3A_219 = arith.addi %broadcast_in_dim3A_213, %add3A_218 : vector<16xi32>
      %select_n3A_220 = arith.select %lt3A_216, %add3A_219, %broadcast_in_dim3A_213 : vector<16xi1>, vector<16xi32>
      %broadcast_in_dim3A_221 = vector.shape_cast %select_n3A_220 : vector<16xi32> to vector<16x1xi32>
      %gather3A_222 = vector.shape_cast %broadcast_in_dim3A_221 : vector<16x1xi32> to vector<16xi32>
      %gather3A_223 = tpu.dynamic_gather %get3A_17[%gather3A_222] in [0] : vector<16xi32>, vector<16xi32> -> vector<16xi32>
      %mul3A_224 = arith.constant 128 : i32
      %mul3A_225 = vector.broadcast %mul3A_224 : i32 to vector<16xi32>
      %mul3A_226 = arith.muli %gather3A_223, %mul3A_225 : vector<16xi32>
      %scan3A_227 = arith.constant 0 : i32
      %scan3A_228 = arith.constant 8 : i32
      %scan3A_229 = arith.addi %scan3A_227, %scan3A_228 : i32
      %scan3A_230 = arith.constant 1 : i32
      %scan3A_231:2 = scf.for %scan3A_371 = %scan3A_227 to %scan3A_229 step %scan3A_230 iter_args(%scan3A_372 = %scan3A_210#0, %scan3A_373 = %scan3A_210#1) -> (vector<16xf32>, vector<16xi32>)  : i32 {
        %mul3A_374 = arith.constant 16 : i32
        %mul3A_375 = arith.muli %scan3A_371, %mul3A_374 : i32
        %get3A_376 = arith.constant 9 : i32
        %get3A_377 = arith.index_cast %get3A_376 : i32 to index
        %get3A_378 = arith.index_cast %mul3A_375 : i32 to index
        %get3A_379 = tpu.vector_load %arg6[%get3A_377, %get3A_378] {strides = array<i32>} : memref<16x128xf32, #tpu.memory_space<vmem>>, vector<16xf32>,
        %mul3A_380 = arith.constant 16 : i32
        %mul3A_381 = arith.muli %scan3A_371, %mul3A_380 : i32
        %add3A_382 = vector.broadcast %mul3A_381 : i32 to vector<16xi32>
        %add3A_383 = arith.addi %mul3A_226, %add3A_382 : vector<16xi32>
        %add3A_384 = arith.addi %add3A_383, %iota3A : vector<16xi32>
        %masked_sort3A = arith.constant dense<true> : vector<16xi1>
        %masked_sort3A_385, %masked_sort3A_386, %masked_sort3A_387 = tpu.sort %get3A_379, %add3A_384 masked %masked_sort3A {descending = true} : (vector<16xf32>, vector<16xi32>, vector<16xi1>) -> (vector<16xi1>, vector<16xf32>, vector<16xi32>)
        %rev3A = arith.constant 15 : i32
        %rev3A_388 = vector.broadcast %rev3A : i32 to vector<16xi32>
        %rev3A_389 = tpu.iota {dimensions = array<i32: 0>} : vector<16xi32>
        %rev3A_390 = arith.subi %rev3A_388, %rev3A_389 : vector<16xi32>
        %rev3A_391 = tpu.dynamic_gather %masked_sort3A_386[%rev3A_390] in [0] : vector<16xf32>, vector<16xi32> -> vector<16xf32>
        %rev3A_392 = arith.constant 15 : i32
        %rev3A_393 = vector.broadcast %rev3A_392 : i32 to vector<16xi32>
        %rev3A_394 = tpu.iota {dimensions = array<i32: 0>} : vector<16xi32>
        %rev3A_395 = arith.subi %rev3A_393, %rev3A_394 : vector<16xi32>
        %rev3A_396 = tpu.dynamic_gather %masked_sort3A_387[%rev3A_395] in [0] : vector<16xi32>, vector<16xi32> -> vector<16xi32>
        %ge3A = arith.cmpf oge, %scan3A_372, %rev3A_391 : vector<16xf32>
        %select_n3A_397 = arith.select %ge3A, %scan3A_372, %rev3A_391 : vector<16xi1>, vector<16xf32>
        %select_n3A_398 = arith.select %ge3A, %scan3A_373, %rev3A_396 : vector<16xi1>, vector<16xi32>
        %masked_sort3A_399 = arith.constant dense<true> : vector<16xi1>
        %masked_sort3A_400, %masked_sort3A_401, %masked_sort3A_402 = tpu.sort %select_n3A_397, %select_n3A_398 masked %masked_sort3A_399 {descending = true} : (vector<16xf32>, vector<16xi32>, vector<16xi1>) -> (vector<16xi1>, vector<16xf32>, vector<16xi32>)
        scf.yield %masked_sort3A_401, %masked_sort3A_402 : vector<16xf32>, vector<16xi32>
      }
      %scan3A_232 = arith.constant 8 : i32
      %broadcast_in_dim3A_233 = arith.constant 10 : i32
      %broadcast_in_dim3A_234 = vector.broadcast %broadcast_in_dim3A_233 : i32 to vector<16xi32>
      %lt3A_235 = arith.constant 0 : i32
      %lt3A_236 = vector.broadcast %lt3A_235 : i32 to vector<16xi32>
      %lt3A_237 = arith.cmpi slt, %broadcast_in_dim3A_234, %lt3A_236 : vector<16xi32>
      %add3A_238 = arith.constant 16 : i32
      %add3A_239 = vector.broadcast %add3A_238 : i32 to vector<16xi32>
      %add3A_240 = arith.addi %broadcast_in_dim3A_234, %add3A_239 : vector<16xi32>
      %select_n3A_241 = arith.select %lt3A_237, %add3A_240, %broadcast_in_dim3A_234 : vector<16xi1>, vector<16xi32>
      %broadcast_in_dim3A_242 = vector.shape_cast %select_n3A_241 : vector<16xi32> to vector<16x1xi32>
      %gather3A_243 = vector.shape_cast %broadcast_in_dim3A_242 : vector<16x1xi32> to vector<16xi32>
      %gather3A_244 = tpu.dynamic_gather %get3A_17[%gather3A_243] in [0] : vector<16xi32>, vector<16xi32> -> vector<16xi32>
      %mul3A_245 = arith.constant 128 : i32
      %mul3A_246 = vector.broadcast %mul3A_245 : i32 to vector<16xi32>
      %mul3A_247 = arith.muli %gather3A_244, %mul3A_246 : vector<16xi32>
      %scan3A_248 = arith.constant 0 : i32
      %scan3A_249 = arith.constant 8 : i32
      %scan3A_250 = arith.addi %scan3A_248, %scan3A_249 : i32
      %scan3A_251 = arith.constant 1 : i32
      %scan3A_252:2 = scf.for %scan3A_371 = %scan3A_248 to %scan3A_250 step %scan3A_251 iter_args(%scan3A_372 = %scan3A_231#0, %scan3A_373 = %scan3A_231#1) -> (vector<16xf32>, vector<16xi32>)  : i32 {
        %mul3A_374 = arith.constant 16 : i32
        %mul3A_375 = arith.muli %scan3A_371, %mul3A_374 : i32
        %get3A_376 = arith.constant 10 : i32
        %get3A_377 = arith.index_cast %get3A_376 : i32 to index
        %get3A_378 = arith.index_cast %mul3A_375 : i32 to index
        %get3A_379 = tpu.vector_load %arg6[%get3A_377, %get3A_378] {strides = array<i32>} : memref<16x128xf32, #tpu.memory_space<vmem>>, vector<16xf32>,
        %mul3A_380 = arith.constant 16 : i32
        %mul3A_381 = arith.muli %scan3A_371, %mul3A_380 : i32
        %add3A_382 = vector.broadcast %mul3A_381 : i32 to vector<16xi32>
        %add3A_383 = arith.addi %mul3A_247, %add3A_382 : vector<16xi32>
        %add3A_384 = arith.addi %add3A_383, %iota3A : vector<16xi32>
        %masked_sort3A = arith.constant dense<true> : vector<16xi1>
        %masked_sort3A_385, %masked_sort3A_386, %masked_sort3A_387 = tpu.sort %get3A_379, %add3A_384 masked %masked_sort3A {descending = true} : (vector<16xf32>, vector<16xi32>, vector<16xi1>) -> (vector<16xi1>, vector<16xf32>, vector<16xi32>)
        %rev3A = arith.constant 15 : i32
        %rev3A_388 = vector.broadcast %rev3A : i32 to vector<16xi32>
        %rev3A_389 = tpu.iota {dimensions = array<i32: 0>} : vector<16xi32>
        %rev3A_390 = arith.subi %rev3A_388, %rev3A_389 : vector<16xi32>
        %rev3A_391 = tpu.dynamic_gather %masked_sort3A_386[%rev3A_390] in [0] : vector<16xf32>, vector<16xi32> -> vector<16xf32>
        %rev3A_392 = arith.constant 15 : i32
        %rev3A_393 = vector.broadcast %rev3A_392 : i32 to vector<16xi32>
        %rev3A_394 = tpu.iota {dimensions = array<i32: 0>} : vector<16xi32>
        %rev3A_395 = arith.subi %rev3A_393, %rev3A_394 : vector<16xi32>
        %rev3A_396 = tpu.dynamic_gather %masked_sort3A_387[%rev3A_395] in [0] : vector<16xi32>, vector<16xi32> -> vector<16xi32>
        %ge3A = arith.cmpf oge, %scan3A_372, %rev3A_391 : vector<16xf32>
        %select_n3A_397 = arith.select %ge3A, %scan3A_372, %rev3A_391 : vector<16xi1>, vector<16xf32>
        %select_n3A_398 = arith.select %ge3A, %scan3A_373, %rev3A_396 : vector<16xi1>, vector<16xi32>
        %masked_sort3A_399 = arith.constant dense<true> : vector<16xi1>
        %masked_sort3A_400, %masked_sort3A_401, %masked_sort3A_402 = tpu.sort %select_n3A_397, %select_n3A_398 masked %masked_sort3A_399 {descending = true} : (vector<16xf32>, vector<16xi32>, vector<16xi1>) -> (vector<16xi1>, vector<16xf32>, vector<16xi32>)
        scf.yield %masked_sort3A_401, %masked_sort3A_402 : vector<16xf32>, vector<16xi32>
      }
      %scan3A_253 = arith.constant 8 : i32
      %broadcast_in_dim3A_254 = arith.constant 11 : i32
      %broadcast_in_dim3A_255 = vector.broadcast %broadcast_in_dim3A_254 : i32 to vector<16xi32>
      %lt3A_256 = arith.constant 0 : i32
      %lt3A_257 = vector.broadcast %lt3A_256 : i32 to vector<16xi32>
      %lt3A_258 = arith.cmpi slt, %broadcast_in_dim3A_255, %lt3A_257 : vector<16xi32>
      %add3A_259 = arith.constant 16 : i32
      %add3A_260 = vector.broadcast %add3A_259 : i32 to vector<16xi32>
      %add3A_261 = arith.addi %broadcast_in_dim3A_255, %add3A_260 : vector<16xi32>
      %select_n3A_262 = arith.select %lt3A_258, %add3A_261, %broadcast_in_dim3A_255 : vector<16xi1>, vector<16xi32>
      %broadcast_in_dim3A_263 = vector.shape_cast %select_n3A_262 : vector<16xi32> to vector<16x1xi32>
      %gather3A_264 = vector.shape_cast %broadcast_in_dim3A_263 : vector<16x1xi32> to vector<16xi32>
      %gather3A_265 = tpu.dynamic_gather %get3A_17[%gather3A_264] in [0] : vector<16xi32>, vector<16xi32> -> vector<16xi32>
      %mul3A_266 = arith.constant 128 : i32
      %mul3A_267 = vector.broadcast %mul3A_266 : i32 to vector<16xi32>
      %mul3A_268 = arith.muli %gather3A_265, %mul3A_267 : vector<16xi32>
      %scan3A_269 = arith.constant 0 : i32
      %scan3A_270 = arith.constant 8 : i32
      %scan3A_271 = arith.addi %scan3A_269, %scan3A_270 : i32
      %scan3A_272 = arith.constant 1 : i32
      %scan3A_273:2 = scf.for %scan3A_371 = %scan3A_269 to %scan3A_271 step %scan3A_272 iter_args(%scan3A_372 = %scan3A_252#0, %scan3A_373 = %scan3A_252#1) -> (vector<16xf32>, vector<16xi32>)  : i32 {
        %mul3A_374 = arith.constant 16 : i32
        %mul3A_375 = arith.muli %scan3A_371, %mul3A_374 : i32
        %get3A_376 = arith.constant 11 : i32
        %get3A_377 = arith.index_cast %get3A_376 : i32 to index
        %get3A_378 = arith.index_cast %mul3A_375 : i32 to index
        %get3A_379 = tpu.vector_load %arg6[%get3A_377, %get3A_378] {strides = array<i32>} : memref<16x128xf32, #tpu.memory_space<vmem>>, vector<16xf32>,
        %mul3A_380 = arith.constant 16 : i32
        %mul3A_381 = arith.muli %scan3A_371, %mul3A_380 : i32
        %add3A_382 = vector.broadcast %mul3A_381 : i32 to vector<16xi32>
        %add3A_383 = arith.addi %mul3A_268, %add3A_382 : vector<16xi32>
        %add3A_384 = arith.addi %add3A_383, %iota3A : vector<16xi32>
        %masked_sort3A = arith.constant dense<true> : vector<16xi1>
        %masked_sort3A_385, %masked_sort3A_386, %masked_sort3A_387 = tpu.sort %get3A_379, %add3A_384 masked %masked_sort3A {descending = true} : (vector<16xf32>, vector<16xi32>, vector<16xi1>) -> (vector<16xi1>, vector<16xf32>, vector<16xi32>)
        %rev3A = arith.constant 15 : i32
        %rev3A_388 = vector.broadcast %rev3A : i32 to vector<16xi32>
        %rev3A_389 = tpu.iota {dimensions = array<i32: 0>} : vector<16xi32>
        %rev3A_390 = arith.subi %rev3A_388, %rev3A_389 : vector<16xi32>
        %rev3A_391 = tpu.dynamic_gather %masked_sort3A_386[%rev3A_390] in [0] : vector<16xf32>, vector<16xi32> -> vector<16xf32>
        %rev3A_392 = arith.constant 15 : i32
        %rev3A_393 = vector.broadcast %rev3A_392 : i32 to vector<16xi32>
        %rev3A_394 = tpu.iota {dimensions = array<i32: 0>} : vector<16xi32>
        %rev3A_395 = arith.subi %rev3A_393, %rev3A_394 : vector<16xi32>
        %rev3A_396 = tpu.dynamic_gather %masked_sort3A_387[%rev3A_395] in [0] : vector<16xi32>, vector<16xi32> -> vector<16xi32>
        %ge3A = arith.cmpf oge, %scan3A_372, %rev3A_391 : vector<16xf32>
        %select_n3A_397 = arith.select %ge3A, %scan3A_372, %rev3A_391 : vector<16xi1>, vector<16xf32>
        %select_n3A_398 = arith.select %ge3A, %scan3A_373, %rev3A_396 : vector<16xi1>, vector<16xi32>
        %masked_sort3A_399 = arith.constant dense<true> : vector<16xi1>
        %masked_sort3A_400, %masked_sort3A_401, %masked_sort3A_402 = tpu.sort %select_n3A_397, %select_n3A_398 masked %masked_sort3A_399 {descending = true} : (vector<16xf32>, vector<16xi32>, vector<16xi1>) -> (vector<16xi1>, vector<16xf32>, vector<16xi32>)
        scf.yield %masked_sort3A_401, %masked_sort3A_402 : vector<16xf32>, vector<16xi32>
      }
      %scan3A_274 = arith.constant 8 : i32
      %broadcast_in_dim3A_275 = arith.constant 12 : i32
      %broadcast_in_dim3A_276 = vector.broadcast %broadcast_in_dim3A_275 : i32 to vector<16xi32>
      %lt3A_277 = arith.constant 0 : i32
      %lt3A_278 = vector.broadcast %lt3A_277 : i32 to vector<16xi32>
      %lt3A_279 = arith.cmpi slt, %broadcast_in_dim3A_276, %lt3A_278 : vector<16xi32>
      %add3A_280 = arith.constant 16 : i32
      %add3A_281 = vector.broadcast %add3A_280 : i32 to vector<16xi32>
      %add3A_282 = arith.addi %broadcast_in_dim3A_276, %add3A_281 : vector<16xi32>
      %select_n3A_283 = arith.select %lt3A_279, %add3A_282, %broadcast_in_dim3A_276 : vector<16xi1>, vector<16xi32>
      %broadcast_in_dim3A_284 = vector.shape_cast %select_n3A_283 : vector<16xi32> to vector<16x1xi32>
      %gather3A_285 = vector.shape_cast %broadcast_in_dim3A_284 : vector<16x1xi32> to vector<16xi32>
      %gather3A_286 = tpu.dynamic_gather %get3A_17[%gather3A_285] in [0] : vector<16xi32>, vector<16xi32> -> vector<16xi32>
      %mul3A_287 = arith.constant 128 : i32
      %mul3A_288 = vector.broadcast %mul3A_287 : i32 to vector<16xi32>
      %mul3A_289 = arith.muli %gather3A_286, %mul3A_288 : vector<16xi32>
      %scan3A_290 = arith.constant 0 : i32
      %scan3A_291 = arith.constant 8 : i32
      %scan3A_292 = arith.addi %scan3A_290, %scan3A_291 : i32
      %scan3A_293 = arith.constant 1 : i32
      %scan3A_294:2 = scf.for %scan3A_371 = %scan3A_290 to %scan3A_292 step %scan3A_293 iter_args(%scan3A_372 = %scan3A_273#0, %scan3A_373 = %scan3A_273#1) -> (vector<16xf32>, vector<16xi32>)  : i32 {
        %mul3A_374 = arith.constant 16 : i32
        %mul3A_375 = arith.muli %scan3A_371, %mul3A_374 : i32
        %get3A_376 = arith.constant 12 : i32
        %get3A_377 = arith.index_cast %get3A_376 : i32 to index
        %get3A_378 = arith.index_cast %mul3A_375 : i32 to index
        %get3A_379 = tpu.vector_load %arg6[%get3A_377, %get3A_378] {strides = array<i32>} : memref<16x128xf32, #tpu.memory_space<vmem>>, vector<16xf32>,
        %mul3A_380 = arith.constant 16 : i32
        %mul3A_381 = arith.muli %scan3A_371, %mul3A_380 : i32
        %add3A_382 = vector.broadcast %mul3A_381 : i32 to vector<16xi32>
        %add3A_383 = arith.addi %mul3A_289, %add3A_382 : vector<16xi32>
        %add3A_384 = arith.addi %add3A_383, %iota3A : vector<16xi32>
        %masked_sort3A = arith.constant dense<true> : vector<16xi1>
        %masked_sort3A_385, %masked_sort3A_386, %masked_sort3A_387 = tpu.sort %get3A_379, %add3A_384 masked %masked_sort3A {descending = true} : (vector<16xf32>, vector<16xi32>, vector<16xi1>) -> (vector<16xi1>, vector<16xf32>, vector<16xi32>)
        %rev3A = arith.constant 15 : i32
        %rev3A_388 = vector.broadcast %rev3A : i32 to vector<16xi32>
        %rev3A_389 = tpu.iota {dimensions = array<i32: 0>} : vector<16xi32>
        %rev3A_390 = arith.subi %rev3A_388, %rev3A_389 : vector<16xi32>
        %rev3A_391 = tpu.dynamic_gather %masked_sort3A_386[%rev3A_390] in [0] : vector<16xf32>, vector<16xi32> -> vector<16xf32>
        %rev3A_392 = arith.constant 15 : i32
        %rev3A_393 = vector.broadcast %rev3A_392 : i32 to vector<16xi32>
        %rev3A_394 = tpu.iota {dimensions = array<i32: 0>} : vector<16xi32>
        %rev3A_395 = arith.subi %rev3A_393, %rev3A_394 : vector<16xi32>
        %rev3A_396 = tpu.dynamic_gather %masked_sort3A_387[%rev3A_395] in [0] : vector<16xi32>, vector<16xi32> -> vector<16xi32>
        %ge3A = arith.cmpf oge, %scan3A_372, %rev3A_391 : vector<16xf32>
        %select_n3A_397 = arith.select %ge3A, %scan3A_372, %rev3A_391 : vector<16xi1>, vector<16xf32>
        %select_n3A_398 = arith.select %ge3A, %scan3A_373, %rev3A_396 : vector<16xi1>, vector<16xi32>
        %masked_sort3A_399 = arith.constant dense<true> : vector<16xi1>
        %masked_sort3A_400, %masked_sort3A_401, %masked_sort3A_402 = tpu.sort %select_n3A_397, %select_n3A_398 masked %masked_sort3A_399 {descending = true} : (vector<16xf32>, vector<16xi32>, vector<16xi1>) -> (vector<16xi1>, vector<16xf32>, vector<16xi32>)
        scf.yield %masked_sort3A_401, %masked_sort3A_402 : vector<16xf32>, vector<16xi32>
      }
      %scan3A_295 = arith.constant 8 : i32
      %broadcast_in_dim3A_296 = arith.constant 13 : i32
      %broadcast_in_dim3A_297 = vector.broadcast %broadcast_in_dim3A_296 : i32 to vector<16xi32>
      %lt3A_298 = arith.constant 0 : i32
      %lt3A_299 = vector.broadcast %lt3A_298 : i32 to vector<16xi32>
      %lt3A_300 = arith.cmpi slt, %broadcast_in_dim3A_297, %lt3A_299 : vector<16xi32>
      %add3A_301 = arith.constant 16 : i32
      %add3A_302 = vector.broadcast %add3A_301 : i32 to vector<16xi32>
      %add3A_303 = arith.addi %broadcast_in_dim3A_297, %add3A_302 : vector<16xi32>
      %select_n3A_304 = arith.select %lt3A_300, %add3A_303, %broadcast_in_dim3A_297 : vector<16xi1>, vector<16xi32>
      %broadcast_in_dim3A_305 = vector.shape_cast %select_n3A_304 : vector<16xi32> to vector<16x1xi32>
      %gather3A_306 = vector.shape_cast %broadcast_in_dim3A_305 : vector<16x1xi32> to vector<16xi32>
      %gather3A_307 = tpu.dynamic_gather %get3A_17[%gather3A_306] in [0] : vector<16xi32>, vector<16xi32> -> vector<16xi32>
      %mul3A_308 = arith.constant 128 : i32
      %mul3A_309 = vector.broadcast %mul3A_308 : i32 to vector<16xi32>
      %mul3A_310 = arith.muli %gather3A_307, %mul3A_309 : vector<16xi32>
      %scan3A_311 = arith.constant 0 : i32
      %scan3A_312 = arith.constant 8 : i32
      %scan3A_313 = arith.addi %scan3A_311, %scan3A_312 : i32
      %scan3A_314 = arith.constant 1 : i32
      %scan3A_315:2 = scf.for %scan3A_371 = %scan3A_311 to %scan3A_313 step %scan3A_314 iter_args(%scan3A_372 = %scan3A_294#0, %scan3A_373 = %scan3A_294#1) -> (vector<16xf32>, vector<16xi32>)  : i32 {
        %mul3A_374 = arith.constant 16 : i32
        %mul3A_375 = arith.muli %scan3A_371, %mul3A_374 : i32
        %get3A_376 = arith.constant 13 : i32
        %get3A_377 = arith.index_cast %get3A_376 : i32 to index
        %get3A_378 = arith.index_cast %mul3A_375 : i32 to index
        %get3A_379 = tpu.vector_load %arg6[%get3A_377, %get3A_378] {strides = array<i32>} : memref<16x128xf32, #tpu.memory_space<vmem>>, vector<16xf32>,
        %mul3A_380 = arith.constant 16 : i32
        %mul3A_381 = arith.muli %scan3A_371, %mul3A_380 : i32
        %add3A_382 = vector.broadcast %mul3A_381 : i32 to vector<16xi32>
        %add3A_383 = arith.addi %mul3A_310, %add3A_382 : vector<16xi32>
        %add3A_384 = arith.addi %add3A_383, %iota3A : vector<16xi32>
        %masked_sort3A = arith.constant dense<true> : vector<16xi1>
        %masked_sort3A_385, %masked_sort3A_386, %masked_sort3A_387 = tpu.sort %get3A_379, %add3A_384 masked %masked_sort3A {descending = true} : (vector<16xf32>, vector<16xi32>, vector<16xi1>) -> (vector<16xi1>, vector<16xf32>, vector<16xi32>)
        %rev3A = arith.constant 15 : i32
        %rev3A_388 = vector.broadcast %rev3A : i32 to vector<16xi32>
        %rev3A_389 = tpu.iota {dimensions = array<i32: 0>} : vector<16xi32>
        %rev3A_390 = arith.subi %rev3A_388, %rev3A_389 : vector<16xi32>
        %rev3A_391 = tpu.dynamic_gather %masked_sort3A_386[%rev3A_390] in [0] : vector<16xf32>, vector<16xi32> -> vector<16xf32>
        %rev3A_392 = arith.constant 15 : i32
        %rev3A_393 = vector.broadcast %rev3A_392 : i32 to vector<16xi32>
        %rev3A_394 = tpu.iota {dimensions = array<i32: 0>} : vector<16xi32>
        %rev3A_395 = arith.subi %rev3A_393, %rev3A_394 : vector<16xi32>
        %rev3A_396 = tpu.dynamic_gather %masked_sort3A_387[%rev3A_395] in [0] : vector<16xi32>, vector<16xi32> -> vector<16xi32>
        %ge3A = arith.cmpf oge, %scan3A_372, %rev3A_391 : vector<16xf32>
        %select_n3A_397 = arith.select %ge3A, %scan3A_372, %rev3A_391 : vector<16xi1>, vector<16xf32>
        %select_n3A_398 = arith.select %ge3A, %scan3A_373, %rev3A_396 : vector<16xi1>, vector<16xi32>
        %masked_sort3A_399 = arith.constant dense<true> : vector<16xi1>
        %masked_sort3A_400, %masked_sort3A_401, %masked_sort3A_402 = tpu.sort %select_n3A_397, %select_n3A_398 masked %masked_sort3A_399 {descending = true} : (vector<16xf32>, vector<16xi32>, vector<16xi1>) -> (vector<16xi1>, vector<16xf32>, vector<16xi32>)
        scf.yield %masked_sort3A_401, %masked_sort3A_402 : vector<16xf32>, vector<16xi32>
      }
      %scan3A_316 = arith.constant 8 : i32
      %broadcast_in_dim3A_317 = arith.constant 14 : i32
      %broadcast_in_dim3A_318 = vector.broadcast %broadcast_in_dim3A_317 : i32 to vector<16xi32>
      %lt3A_319 = arith.constant 0 : i32
      %lt3A_320 = vector.broadcast %lt3A_319 : i32 to vector<16xi32>
      %lt3A_321 = arith.cmpi slt, %broadcast_in_dim3A_318, %lt3A_320 : vector<16xi32>
      %add3A_322 = arith.constant 16 : i32
      %add3A_323 = vector.broadcast %add3A_322 : i32 to vector<16xi32>
      %add3A_324 = arith.addi %broadcast_in_dim3A_318, %add3A_323 : vector<16xi32>
      %select_n3A_325 = arith.select %lt3A_321, %add3A_324, %broadcast_in_dim3A_318 : vector<16xi1>, vector<16xi32>
      %broadcast_in_dim3A_326 = vector.shape_cast %select_n3A_325 : vector<16xi32> to vector<16x1xi32>
      %gather3A_327 = vector.shape_cast %broadcast_in_dim3A_326 : vector<16x1xi32> to vector<16xi32>
      %gather3A_328 = tpu.dynamic_gather %get3A_17[%gather3A_327] in [0] : vector<16xi32>, vector<16xi32> -> vector<16xi32>
      %mul3A_329 = arith.constant 128 : i32
      %mul3A_330 = vector.broadcast %mul3A_329 : i32 to vector<16xi32>
      %mul3A_331 = arith.muli %gather3A_328, %mul3A_330 : vector<16xi32>
      %scan3A_332 = arith.constant 0 : i32
      %scan3A_333 = arith.constant 8 : i32
      %scan3A_334 = arith.addi %scan3A_332, %scan3A_333 : i32
      %scan3A_335 = arith.constant 1 : i32
      %scan3A_336:2 = scf.for %scan3A_371 = %scan3A_332 to %scan3A_334 step %scan3A_335 iter_args(%scan3A_372 = %scan3A_315#0, %scan3A_373 = %scan3A_315#1) -> (vector<16xf32>, vector<16xi32>)  : i32 {
        %mul3A_374 = arith.constant 16 : i32
        %mul3A_375 = arith.muli %scan3A_371, %mul3A_374 : i32
        %get3A_376 = arith.constant 14 : i32
        %get3A_377 = arith.index_cast %get3A_376 : i32 to index
        %get3A_378 = arith.index_cast %mul3A_375 : i32 to index
        %get3A_379 = tpu.vector_load %arg6[%get3A_377, %get3A_378] {strides = array<i32>} : memref<16x128xf32, #tpu.memory_space<vmem>>, vector<16xf32>,
        %mul3A_380 = arith.constant 16 : i32
        %mul3A_381 = arith.muli %scan3A_371, %mul3A_380 : i32
        %add3A_382 = vector.broadcast %mul3A_381 : i32 to vector<16xi32>
        %add3A_383 = arith.addi %mul3A_331, %add3A_382 : vector<16xi32>
        %add3A_384 = arith.addi %add3A_383, %iota3A : vector<16xi32>
        %masked_sort3A = arith.constant dense<true> : vector<16xi1>
        %masked_sort3A_385, %masked_sort3A_386, %masked_sort3A_387 = tpu.sort %get3A_379, %add3A_384 masked %masked_sort3A {descending = true} : (vector<16xf32>, vector<16xi32>, vector<16xi1>) -> (vector<16xi1>, vector<16xf32>, vector<16xi32>)
        %rev3A = arith.constant 15 : i32
        %rev3A_388 = vector.broadcast %rev3A : i32 to vector<16xi32>
        %rev3A_389 = tpu.iota {dimensions = array<i32: 0>} : vector<16xi32>
        %rev3A_390 = arith.subi %rev3A_388, %rev3A_389 : vector<16xi32>
        %rev3A_391 = tpu.dynamic_gather %masked_sort3A_386[%rev3A_390] in [0] : vector<16xf32>, vector<16xi32> -> vector<16xf32>
        %rev3A_392 = arith.constant 15 : i32
        %rev3A_393 = vector.broadcast %rev3A_392 : i32 to vector<16xi32>
        %rev3A_394 = tpu.iota {dimensions = array<i32: 0>} : vector<16xi32>
        %rev3A_395 = arith.subi %rev3A_393, %rev3A_394 : vector<16xi32>
        %rev3A_396 = tpu.dynamic_gather %masked_sort3A_387[%rev3A_395] in [0] : vector<16xi32>, vector<16xi32> -> vector<16xi32>
        %ge3A = arith.cmpf oge, %scan3A_372, %rev3A_391 : vector<16xf32>
        %select_n3A_397 = arith.select %ge3A, %scan3A_372, %rev3A_391 : vector<16xi1>, vector<16xf32>
        %select_n3A_398 = arith.select %ge3A, %scan3A_373, %rev3A_396 : vector<16xi1>, vector<16xi32>
        %masked_sort3A_399 = arith.constant dense<true> : vector<16xi1>
        %masked_sort3A_400, %masked_sort3A_401, %masked_sort3A_402 = tpu.sort %select_n3A_397, %select_n3A_398 masked %masked_sort3A_399 {descending = true} : (vector<16xf32>, vector<16xi32>, vector<16xi1>) -> (vector<16xi1>, vector<16xf32>, vector<16xi32>)
        scf.yield %masked_sort3A_401, %masked_sort3A_402 : vector<16xf32>, vector<16xi32>
      }
      %scan3A_337 = arith.constant 8 : i32
      %broadcast_in_dim3A_338 = arith.constant 15 : i32
      %broadcast_in_dim3A_339 = vector.broadcast %broadcast_in_dim3A_338 : i32 to vector<16xi32>
      %lt3A_340 = arith.constant 0 : i32
      %lt3A_341 = vector.broadcast %lt3A_340 : i32 to vector<16xi32>
      %lt3A_342 = arith.cmpi slt, %broadcast_in_dim3A_339, %lt3A_341 : vector<16xi32>
      %add3A_343 = arith.constant 16 : i32
      %add3A_344 = vector.broadcast %add3A_343 : i32 to vector<16xi32>
      %add3A_345 = arith.addi %broadcast_in_dim3A_339, %add3A_344 : vector<16xi32>
      %select_n3A_346 = arith.select %lt3A_342, %add3A_345, %broadcast_in_dim3A_339 : vector<16xi1>, vector<16xi32>
      %broadcast_in_dim3A_347 = vector.shape_cast %select_n3A_346 : vector<16xi32> to vector<16x1xi32>
      %gather3A_348 = vector.shape_cast %broadcast_in_dim3A_347 : vector<16x1xi32> to vector<16xi32>
      %gather3A_349 = tpu.dynamic_gather %get3A_17[%gather3A_348] in [0] : vector<16xi32>, vector<16xi32> -> vector<16xi32>
      %mul3A_350 = arith.constant 128 : i32
      %mul3A_351 = vector.broadcast %mul3A_350 : i32 to vector<16xi32>
      %mul3A_352 = arith.muli %gather3A_349, %mul3A_351 : vector<16xi32>
      %scan3A_353 = arith.constant 0 : i32
      %scan3A_354 = arith.constant 8 : i32
      %scan3A_355 = arith.addi %scan3A_353, %scan3A_354 : i32
      %scan3A_356 = arith.constant 1 : i32
      %scan3A_357:2 = scf.for %scan3A_371 = %scan3A_353 to %scan3A_355 step %scan3A_356 iter_args(%scan3A_372 = %scan3A_336#0, %scan3A_373 = %scan3A_336#1) -> (vector<16xf32>, vector<16xi32>)  : i32 {
        %mul3A_374 = arith.constant 16 : i32
        %mul3A_375 = arith.muli %scan3A_371, %mul3A_374 : i32
        %get3A_376 = arith.constant 15 : i32
        %get3A_377 = arith.index_cast %get3A_376 : i32 to index
        %get3A_378 = arith.index_cast %mul3A_375 : i32 to index
        %get3A_379 = tpu.vector_load %arg6[%get3A_377, %get3A_378] {strides = array<i32>} : memref<16x128xf32, #tpu.memory_space<vmem>>, vector<16xf32>,
        %mul3A_380 = arith.constant 16 : i32
        %mul3A_381 = arith.muli %scan3A_371, %mul3A_380 : i32
        %add3A_382 = vector.broadcast %mul3A_381 : i32 to vector<16xi32>
        %add3A_383 = arith.addi %mul3A_352, %add3A_382 : vector<16xi32>
        %add3A_384 = arith.addi %add3A_383, %iota3A : vector<16xi32>
        %masked_sort3A = arith.constant dense<true> : vector<16xi1>
        %masked_sort3A_385, %masked_sort3A_386, %masked_sort3A_387 = tpu.sort %get3A_379, %add3A_384 masked %masked_sort3A {descending = true} : (vector<16xf32>, vector<16xi32>, vector<16xi1>) -> (vector<16xi1>, vector<16xf32>, vector<16xi32>)
        %rev3A = arith.constant 15 : i32
        %rev3A_388 = vector.broadcast %rev3A : i32 to vector<16xi32>
        %rev3A_389 = tpu.iota {dimensions = array<i32: 0>} : vector<16xi32>
        %rev3A_390 = arith.subi %rev3A_388, %rev3A_389 : vector<16xi32>
        %rev3A_391 = tpu.dynamic_gather %masked_sort3A_386[%rev3A_390] in [0] : vector<16xf32>, vector<16xi32> -> vector<16xf32>
        %rev3A_392 = arith.constant 15 : i32
        %rev3A_393 = vector.broadcast %rev3A_392 : i32 to vector<16xi32>
        %rev3A_394 = tpu.iota {dimensions = array<i32: 0>} : vector<16xi32>
        %rev3A_395 = arith.subi %rev3A_393, %rev3A_394 : vector<16xi32>
        %rev3A_396 = tpu.dynamic_gather %masked_sort3A_387[%rev3A_395] in [0] : vector<16xi32>, vector<16xi32> -> vector<16xi32>
        %ge3A = arith.cmpf oge, %scan3A_372, %rev3A_391 : vector<16xf32>
        %select_n3A_397 = arith.select %ge3A, %scan3A_372, %rev3A_391 : vector<16xi1>, vector<16xf32>
        %select_n3A_398 = arith.select %ge3A, %scan3A_373, %rev3A_396 : vector<16xi1>, vector<16xi32>
        %masked_sort3A_399 = arith.constant dense<true> : vector<16xi1>
        %masked_sort3A_400, %masked_sort3A_401, %masked_sort3A_402 = tpu.sort %select_n3A_397, %select_n3A_398 masked %masked_sort3A_399 {descending = true} : (vector<16xf32>, vector<16xi32>, vector<16xi1>) -> (vector<16xi1>, vector<16xf32>, vector<16xi32>)
        scf.yield %masked_sort3A_401, %masked_sort3A_402 : vector<16xf32>, vector<16xi32>
      }
      %scan3A_358 = arith.constant 8 : i32
      %lt3A_359 = arith.constant 10 : i32
      %lt3A_360 = vector.broadcast %lt3A_359 : i32 to vector<16xi32>
      %lt3A_361 = arith.cmpi slt, %iota3A, %lt3A_360 : vector<16xi32>
      %mul3A_362 = arith.constant 0.333333343 : f32
      %mul3A_363 = vector.broadcast %mul3A_362 : f32 to vector<16xf32>
      %mul3A_364 = arith.mulf %scan3A_357#0, %mul3A_363 : vector<16xf32>
      %exp3A = math.exp %mul3A_364 : vector<16xf32>
      %jit3A = arith.constant 0.000000e+00 : f32
      %broadcast_in_dim3A_365 = vector.broadcast %jit3A : f32 to vector<16xf32>
      %select_n3A_366 = arith.select %lt3A_361, %exp3A, %broadcast_in_dim3A_365 : vector<16xi1>, vector<16xf32>
      %reduce_sum3A = arith.constant true
      %reduce_sum3A_367 = vector.broadcast %reduce_sum3A : i1 to vector<16xi1>
      %reduce_sum3A_368 = tpu.scan <sum>, %select_n3A_366 masked %reduce_sum3A_367 : vector<16xf32>, vector<16xi1> -> vector<16xf32>
      %reduce_sum3A_369 = vector.extract %reduce_sum3A_368[15] : f32 from vector<16xf32>
      %div3A = vector.broadcast %reduce_sum3A_369 : f32 to vector<16xf32>
      %div3A_370 = arith.divf %select_n3A_366, %div3A : vector<16xf32>
      tpu.vector_store_idx %arg5[%scan3A_357#1], %div3A_370 : memref<65536xf32, #tpu.memory_space<vmem>>[vector<16xi32>], vector<16xf32>,
      "tpu.region"() ({
        %run_scoped3A = tpu.sem_alloc : memref<!tpu.dma_semaphore, #tpu.memory_space<semaphore_mem>>
        %dma_start3A = arith.constant 0 : i32
        %dma_start3A_371 = tpu.memref_slice %arg4[%add3A_16, %dma_start3A] : memref<1536x65536xf32, #tpu.memory_space<hbm>> -> memref<1x65536xf32, #tpu.memory_space<hbm>>
        %dma_start3A_372 = tpu.memref_squeeze %dma_start3A_371 : memref<1x65536xf32, #tpu.memory_space<hbm>> -> memref<65536xf32, #tpu.memory_space<hbm>>
        %dma_start3A_373 = arith.constant 0 : i32
        %dma_start3A_374 = tpu.memref_slice %arg4[%add3A_16, %dma_start3A_373] : memref<1536x65536xf32, #tpu.memory_space<hbm>> -> memref<1x65536xf32, #tpu.memory_space<hbm>>
        %dma_start3A_375 = tpu.memref_squeeze %dma_start3A_374 : memref<1x65536xf32, #tpu.memory_space<hbm>> -> memref<65536xf32, #tpu.memory_space<hbm>>
        tpu.enqueue_dma source(%arg5 : memref<65536xf32, #tpu.memory_space<vmem>>) target(%dma_start3A_375 : memref<65536xf32, #tpu.memory_space<hbm>>) target_semaphore(%run_scoped3A : memref<!tpu.dma_semaphore, #tpu.memory_space<semaphore_mem>>)
        %dma_wait3A = arith.constant 0 : i32
        %dma_wait3A_376 = tpu.memref_slice %arg4[%add3A_16, %dma_wait3A] : memref<1536x65536xf32, #tpu.memory_space<hbm>> -> memref<1x65536xf32, #tpu.memory_space<hbm>>
        %dma_wait3A_377 = tpu.memref_squeeze %dma_wait3A_376 : memref<1x65536xf32, #tpu.memory_space<hbm>> -> memref<65536xf32, #tpu.memory_space<hbm>>
        %dma_wait3A_378 = arith.constant 0 : i32
        %dma_wait3A_379 = tpu.memref_slice %arg4[%add3A_16, %dma_wait3A_378] : memref<1536x65536xf32, #tpu.memory_space<hbm>> -> memref<1x65536xf32, #tpu.memory_space<hbm>>
        %dma_wait3A_380 = tpu.memref_squeeze %dma_wait3A_379 : memref<1x65536xf32, #tpu.memory_space<hbm>> -> memref<65536xf32, #tpu.memory_space<hbm>>
        tpu.wait_dma2 semaphore(%run_scoped3A : memref<!tpu.dma_semaphore, #tpu.memory_space<semaphore_mem>>) src(%arg5 : memref<65536xf32, #tpu.memory_space<vmem>>) dst(%dma_wait3A_380 : memref<65536xf32, #tpu.memory_space<hbm>>)
        tpu.yield
      }) : () -> ()
      tpu.vector_store_idx %arg5[%scan3A_357#1], %broadcast_in_dim3A_3 : memref<65536xf32, #tpu.memory_space<vmem>>[vector<16xi32>], vector<16xf32>,
    }
    %scan3A_14 = arith.constant 48 : i32
    return
  }
}

module attributes {stable_mosaic.version = 14 : i64} {
  func.func @body(%arg0: i32, %arg1: i32, %arg2: memref<1x32x32xf32, #tpu.memory_space<vmem>>, %arg3: memref<1x32x65536xf32, #tpu.memory_space<vmem>>, %arg4: memref<1x32x65536xf32, #tpu.memory_space<vmem>>, %arg5: memref<1x32x16xi32, #tpu.memory_space<vmem>>, %arg6: memref<32x65536xf32, #tpu.memory_space<vmem>>) attributes {dimension_semantics = [#tpu.dimension_semantics<arbitrary>, #tpu.dimension_semantics<arbitrary>], iteration_bounds = array<i64: 3, 16>, scalar_prefetch = 0 : i64, scratch_operands = 1 : i64, tpu.core_type = #tpu.core_type<tc>, window_params = [{transform_indices = @transform_0, window_bounds = array<i64: 1, 32, 32>}, {transform_indices = @transform_1, window_bounds = array<i64: 1, 32, 65536>}, {transform_indices = @transform_2, window_bounds = array<i64: 1, 32, 65536>}, {transform_indices = @transform_3, window_bounds = array<i64: 1, 32, 16>}]} {
    %eq3A = arith.constant 0 : i32
    %eq3A_0 = arith.cmpi eq, %arg1, %eq3A : i32
    %convert_element_type3A = arith.extui %eq3A_0 : i1 to i32
    %cond3A = arith.constant 0 : i32
    %cond3A_1 = arith.cmpi ne, %convert_element_type3A, %cond3A : i32
    scf.if %cond3A_1 {
      %get3A_470 = arith.constant 0 : index
      %get3A_471 = arith.constant 0 : index
      %get3A_472 = arith.constant 0 : index
      %get3A_473 = vector.load %arg3[%get3A_470, %get3A_471, %get3A_472] : memref<1x32x65536xf32, #tpu.memory_space<vmem>>, vector<1x32x8192xf32>
      %get3A_474 = vector.shape_cast %get3A_473 : vector<1x32x8192xf32> to vector<32x8192xf32>
      %mul3A_475 = arith.mulf %get3A_474, %get3A_474 : vector<32x8192xf32>
      %reduce_sum3A_476 = arith.constant dense<0.000000e+00> : vector<8192xf32>
      %reduce_sum3A_477 = vector.multi_reduction <add>, %mul3A_475, %reduce_sum3A_476 [0] : vector<32x8192xf32> to vector<8192xf32>
      %broadcast_in_dim3A_478 = vector.shape_cast %reduce_sum3A_477 : vector<8192xf32> to vector<1x8192xf32>
      %sqrt3A_479 = math.sqrt %broadcast_in_dim3A_478 : vector<1x8192xf32>
      %max3A_480 = arith.constant 9.99999996E-13 : f32
      %max3A_481 = vector.broadcast %max3A_480 : f32 to vector<1x8192xf32>
      %max3A_482 = arith.maximumf %sqrt3A_479, %max3A_481 : vector<1x8192xf32>
      %div3A_483 = vector.broadcast %max3A_482 : vector<1x8192xf32> to vector<32x8192xf32>
      %div3A_484 = arith.divf %get3A_474, %div3A_483 : vector<32x8192xf32>
      %swap3A_485 = arith.constant 0 : index
      %swap3A_486 = arith.constant 0 : index
      %swap3A_487 = vector.load %arg6[%swap3A_485, %swap3A_486] : memref<32x65536xf32, #tpu.memory_space<vmem>>, vector<32x8192xf32>
      tpu.vector_store %arg6[%swap3A_485, %swap3A_486], %div3A_484 {strides = array<i32>} : memref<32x65536xf32, #tpu.memory_space<vmem>>, vector<32x8192xf32>,
      %get3A_488 = arith.constant 0 : index
      %get3A_489 = arith.constant 0 : index
      %get3A_490 = arith.constant 8192 : index
      %get3A_491 = vector.load %arg3[%get3A_488, %get3A_489, %get3A_490] : memref<1x32x65536xf32, #tpu.memory_space<vmem>>, vector<1x32x8192xf32>
      %get3A_492 = vector.shape_cast %get3A_491 : vector<1x32x8192xf32> to vector<32x8192xf32>
      %mul3A_493 = arith.mulf %get3A_492, %get3A_492 : vector<32x8192xf32>
      %reduce_sum3A_494 = arith.constant dense<0.000000e+00> : vector<8192xf32>
      %reduce_sum3A_495 = vector.multi_reduction <add>, %mul3A_493, %reduce_sum3A_494 [0] : vector<32x8192xf32> to vector<8192xf32>
      %broadcast_in_dim3A_496 = vector.shape_cast %reduce_sum3A_495 : vector<8192xf32> to vector<1x8192xf32>
      %sqrt3A_497 = math.sqrt %broadcast_in_dim3A_496 : vector<1x8192xf32>
      %max3A_498 = arith.constant 9.99999996E-13 : f32
      %max3A_499 = vector.broadcast %max3A_498 : f32 to vector<1x8192xf32>
      %max3A_500 = arith.maximumf %sqrt3A_497, %max3A_499 : vector<1x8192xf32>
      %div3A_501 = vector.broadcast %max3A_500 : vector<1x8192xf32> to vector<32x8192xf32>
      %div3A_502 = arith.divf %get3A_492, %div3A_501 : vector<32x8192xf32>
      %swap3A_503 = arith.constant 0 : index
      %swap3A_504 = arith.constant 8192 : index
      %swap3A_505 = vector.load %arg6[%swap3A_503, %swap3A_504] : memref<32x65536xf32, #tpu.memory_space<vmem>>, vector<32x8192xf32>
      tpu.vector_store %arg6[%swap3A_503, %swap3A_504], %div3A_502 {strides = array<i32>} : memref<32x65536xf32, #tpu.memory_space<vmem>>, vector<32x8192xf32>,
      %get3A_506 = arith.constant 0 : index
      %get3A_507 = arith.constant 0 : index
      %get3A_508 = arith.constant 16384 : index
      %get3A_509 = vector.load %arg3[%get3A_506, %get3A_507, %get3A_508] : memref<1x32x65536xf32, #tpu.memory_space<vmem>>, vector<1x32x8192xf32>
      %get3A_510 = vector.shape_cast %get3A_509 : vector<1x32x8192xf32> to vector<32x8192xf32>
      %mul3A_511 = arith.mulf %get3A_510, %get3A_510 : vector<32x8192xf32>
      %reduce_sum3A_512 = arith.constant dense<0.000000e+00> : vector<8192xf32>
      %reduce_sum3A_513 = vector.multi_reduction <add>, %mul3A_511, %reduce_sum3A_512 [0] : vector<32x8192xf32> to vector<8192xf32>
      %broadcast_in_dim3A_514 = vector.shape_cast %reduce_sum3A_513 : vector<8192xf32> to vector<1x8192xf32>
      %sqrt3A_515 = math.sqrt %broadcast_in_dim3A_514 : vector<1x8192xf32>
      %max3A_516 = arith.constant 9.99999996E-13 : f32
      %max3A_517 = vector.broadcast %max3A_516 : f32 to vector<1x8192xf32>
      %max3A_518 = arith.maximumf %sqrt3A_515, %max3A_517 : vector<1x8192xf32>
      %div3A_519 = vector.broadcast %max3A_518 : vector<1x8192xf32> to vector<32x8192xf32>
      %div3A_520 = arith.divf %get3A_510, %div3A_519 : vector<32x8192xf32>
      %swap3A_521 = arith.constant 0 : index
      %swap3A_522 = arith.constant 16384 : index
      %swap3A_523 = vector.load %arg6[%swap3A_521, %swap3A_522] : memref<32x65536xf32, #tpu.memory_space<vmem>>, vector<32x8192xf32>
      tpu.vector_store %arg6[%swap3A_521, %swap3A_522], %div3A_520 {strides = array<i32>} : memref<32x65536xf32, #tpu.memory_space<vmem>>, vector<32x8192xf32>,
      %get3A_524 = arith.constant 0 : index
      %get3A_525 = arith.constant 0 : index
      %get3A_526 = arith.constant 24576 : index
      %get3A_527 = vector.load %arg3[%get3A_524, %get3A_525, %get3A_526] : memref<1x32x65536xf32, #tpu.memory_space<vmem>>, vector<1x32x8192xf32>
      %get3A_528 = vector.shape_cast %get3A_527 : vector<1x32x8192xf32> to vector<32x8192xf32>
      %mul3A_529 = arith.mulf %get3A_528, %get3A_528 : vector<32x8192xf32>
      %reduce_sum3A_530 = arith.constant dense<0.000000e+00> : vector<8192xf32>
      %reduce_sum3A_531 = vector.multi_reduction <add>, %mul3A_529, %reduce_sum3A_530 [0] : vector<32x8192xf32> to vector<8192xf32>
      %broadcast_in_dim3A_532 = vector.shape_cast %reduce_sum3A_531 : vector<8192xf32> to vector<1x8192xf32>
      %sqrt3A_533 = math.sqrt %broadcast_in_dim3A_532 : vector<1x8192xf32>
      %max3A_534 = arith.constant 9.99999996E-13 : f32
      %max3A_535 = vector.broadcast %max3A_534 : f32 to vector<1x8192xf32>
      %max3A_536 = arith.maximumf %sqrt3A_533, %max3A_535 : vector<1x8192xf32>
      %div3A_537 = vector.broadcast %max3A_536 : vector<1x8192xf32> to vector<32x8192xf32>
      %div3A_538 = arith.divf %get3A_528, %div3A_537 : vector<32x8192xf32>
      %swap3A_539 = arith.constant 0 : index
      %swap3A_540 = arith.constant 24576 : index
      %swap3A_541 = vector.load %arg6[%swap3A_539, %swap3A_540] : memref<32x65536xf32, #tpu.memory_space<vmem>>, vector<32x8192xf32>
      tpu.vector_store %arg6[%swap3A_539, %swap3A_540], %div3A_538 {strides = array<i32>} : memref<32x65536xf32, #tpu.memory_space<vmem>>, vector<32x8192xf32>,
      %get3A_542 = arith.constant 0 : index
      %get3A_543 = arith.constant 0 : index
      %get3A_544 = arith.constant 32768 : index
      %get3A_545 = vector.load %arg3[%get3A_542, %get3A_543, %get3A_544] : memref<1x32x65536xf32, #tpu.memory_space<vmem>>, vector<1x32x8192xf32>
      %get3A_546 = vector.shape_cast %get3A_545 : vector<1x32x8192xf32> to vector<32x8192xf32>
      %mul3A_547 = arith.mulf %get3A_546, %get3A_546 : vector<32x8192xf32>
      %reduce_sum3A_548 = arith.constant dense<0.000000e+00> : vector<8192xf32>
      %reduce_sum3A_549 = vector.multi_reduction <add>, %mul3A_547, %reduce_sum3A_548 [0] : vector<32x8192xf32> to vector<8192xf32>
      %broadcast_in_dim3A_550 = vector.shape_cast %reduce_sum3A_549 : vector<8192xf32> to vector<1x8192xf32>
      %sqrt3A_551 = math.sqrt %broadcast_in_dim3A_550 : vector<1x8192xf32>
      %max3A_552 = arith.constant 9.99999996E-13 : f32
      %max3A_553 = vector.broadcast %max3A_552 : f32 to vector<1x8192xf32>
      %max3A_554 = arith.maximumf %sqrt3A_551, %max3A_553 : vector<1x8192xf32>
      %div3A_555 = vector.broadcast %max3A_554 : vector<1x8192xf32> to vector<32x8192xf32>
      %div3A_556 = arith.divf %get3A_546, %div3A_555 : vector<32x8192xf32>
      %swap3A_557 = arith.constant 0 : index
      %swap3A_558 = arith.constant 32768 : index
      %swap3A_559 = vector.load %arg6[%swap3A_557, %swap3A_558] : memref<32x65536xf32, #tpu.memory_space<vmem>>, vector<32x8192xf32>
      tpu.vector_store %arg6[%swap3A_557, %swap3A_558], %div3A_556 {strides = array<i32>} : memref<32x65536xf32, #tpu.memory_space<vmem>>, vector<32x8192xf32>,
      %get3A_560 = arith.constant 0 : index
      %get3A_561 = arith.constant 0 : index
      %get3A_562 = arith.constant 40960 : index
      %get3A_563 = vector.load %arg3[%get3A_560, %get3A_561, %get3A_562] : memref<1x32x65536xf32, #tpu.memory_space<vmem>>, vector<1x32x8192xf32>
      %get3A_564 = vector.shape_cast %get3A_563 : vector<1x32x8192xf32> to vector<32x8192xf32>
      %mul3A_565 = arith.mulf %get3A_564, %get3A_564 : vector<32x8192xf32>
      %reduce_sum3A_566 = arith.constant dense<0.000000e+00> : vector<8192xf32>
      %reduce_sum3A_567 = vector.multi_reduction <add>, %mul3A_565, %reduce_sum3A_566 [0] : vector<32x8192xf32> to vector<8192xf32>
      %broadcast_in_dim3A_568 = vector.shape_cast %reduce_sum3A_567 : vector<8192xf32> to vector<1x8192xf32>
      %sqrt3A_569 = math.sqrt %broadcast_in_dim3A_568 : vector<1x8192xf32>
      %max3A_570 = arith.constant 9.99999996E-13 : f32
      %max3A_571 = vector.broadcast %max3A_570 : f32 to vector<1x8192xf32>
      %max3A_572 = arith.maximumf %sqrt3A_569, %max3A_571 : vector<1x8192xf32>
      %div3A_573 = vector.broadcast %max3A_572 : vector<1x8192xf32> to vector<32x8192xf32>
      %div3A_574 = arith.divf %get3A_564, %div3A_573 : vector<32x8192xf32>
      %swap3A_575 = arith.constant 0 : index
      %swap3A_576 = arith.constant 40960 : index
      %swap3A_577 = vector.load %arg6[%swap3A_575, %swap3A_576] : memref<32x65536xf32, #tpu.memory_space<vmem>>, vector<32x8192xf32>
      tpu.vector_store %arg6[%swap3A_575, %swap3A_576], %div3A_574 {strides = array<i32>} : memref<32x65536xf32, #tpu.memory_space<vmem>>, vector<32x8192xf32>,
      %get3A_578 = arith.constant 0 : index
      %get3A_579 = arith.constant 0 : index
      %get3A_580 = arith.constant 49152 : index
      %get3A_581 = vector.load %arg3[%get3A_578, %get3A_579, %get3A_580] : memref<1x32x65536xf32, #tpu.memory_space<vmem>>, vector<1x32x8192xf32>
      %get3A_582 = vector.shape_cast %get3A_581 : vector<1x32x8192xf32> to vector<32x8192xf32>
      %mul3A_583 = arith.mulf %get3A_582, %get3A_582 : vector<32x8192xf32>
      %reduce_sum3A_584 = arith.constant dense<0.000000e+00> : vector<8192xf32>
      %reduce_sum3A_585 = vector.multi_reduction <add>, %mul3A_583, %reduce_sum3A_584 [0] : vector<32x8192xf32> to vector<8192xf32>
      %broadcast_in_dim3A_586 = vector.shape_cast %reduce_sum3A_585 : vector<8192xf32> to vector<1x8192xf32>
      %sqrt3A_587 = math.sqrt %broadcast_in_dim3A_586 : vector<1x8192xf32>
      %max3A_588 = arith.constant 9.99999996E-13 : f32
      %max3A_589 = vector.broadcast %max3A_588 : f32 to vector<1x8192xf32>
      %max3A_590 = arith.maximumf %sqrt3A_587, %max3A_589 : vector<1x8192xf32>
      %div3A_591 = vector.broadcast %max3A_590 : vector<1x8192xf32> to vector<32x8192xf32>
      %div3A_592 = arith.divf %get3A_582, %div3A_591 : vector<32x8192xf32>
      %swap3A_593 = arith.constant 0 : index
      %swap3A_594 = arith.constant 49152 : index
      %swap3A_595 = vector.load %arg6[%swap3A_593, %swap3A_594] : memref<32x65536xf32, #tpu.memory_space<vmem>>, vector<32x8192xf32>
      tpu.vector_store %arg6[%swap3A_593, %swap3A_594], %div3A_592 {strides = array<i32>} : memref<32x65536xf32, #tpu.memory_space<vmem>>, vector<32x8192xf32>,
      %get3A_596 = arith.constant 0 : index
      %get3A_597 = arith.constant 0 : index
      %get3A_598 = arith.constant 57344 : index
      %get3A_599 = vector.load %arg3[%get3A_596, %get3A_597, %get3A_598] : memref<1x32x65536xf32, #tpu.memory_space<vmem>>, vector<1x32x8192xf32>
      %get3A_600 = vector.shape_cast %get3A_599 : vector<1x32x8192xf32> to vector<32x8192xf32>
      %mul3A_601 = arith.mulf %get3A_600, %get3A_600 : vector<32x8192xf32>
      %reduce_sum3A_602 = arith.constant dense<0.000000e+00> : vector<8192xf32>
      %reduce_sum3A_603 = vector.multi_reduction <add>, %mul3A_601, %reduce_sum3A_602 [0] : vector<32x8192xf32> to vector<8192xf32>
      %broadcast_in_dim3A_604 = vector.shape_cast %reduce_sum3A_603 : vector<8192xf32> to vector<1x8192xf32>
      %sqrt3A_605 = math.sqrt %broadcast_in_dim3A_604 : vector<1x8192xf32>
      %max3A_606 = arith.constant 9.99999996E-13 : f32
      %max3A_607 = vector.broadcast %max3A_606 : f32 to vector<1x8192xf32>
      %max3A_608 = arith.maximumf %sqrt3A_605, %max3A_607 : vector<1x8192xf32>
      %div3A_609 = vector.broadcast %max3A_608 : vector<1x8192xf32> to vector<32x8192xf32>
      %div3A_610 = arith.divf %get3A_600, %div3A_609 : vector<32x8192xf32>
      %swap3A_611 = arith.constant 0 : index
      %swap3A_612 = arith.constant 57344 : index
      %swap3A_613 = vector.load %arg6[%swap3A_611, %swap3A_612] : memref<32x65536xf32, #tpu.memory_space<vmem>>, vector<32x8192xf32>
      tpu.vector_store %arg6[%swap3A_611, %swap3A_612], %div3A_610 {strides = array<i32>} : memref<32x65536xf32, #tpu.memory_space<vmem>>, vector<32x8192xf32>,
    } else {
    }
    %get3A = arith.constant 0 : index
    %get3A_2 = arith.constant 0 : index
    %get3A_3 = arith.constant 0 : index
    %get3A_4 = vector.load %arg2[%get3A, %get3A_2, %get3A_3] : memref<1x32x32xf32, #tpu.memory_space<vmem>>, vector<1x32x32xf32>
    %get3A_5 = vector.shape_cast %get3A_4 : vector<1x32x32xf32> to vector<32x32xf32>
    %mul3A = arith.mulf %get3A_5, %get3A_5 : vector<32x32xf32>
    %reduce_sum3A = arith.constant dense<0.000000e+00> : vector<32xf32>
    %reduce_sum3A_6 = vector.multi_reduction <add>, %mul3A, %reduce_sum3A [1] : vector<32x32xf32> to vector<32xf32>
    %broadcast_in_dim3A = vector.shape_cast %reduce_sum3A_6 : vector<32xf32> to vector<32x1xf32>
    %sqrt3A = math.sqrt %broadcast_in_dim3A : vector<32x1xf32>
    %max3A = arith.constant 9.99999996E-13 : f32
    %max3A_7 = vector.broadcast %max3A : f32 to vector<32x1xf32>
    %max3A_8 = arith.maximumf %sqrt3A, %max3A_7 : vector<32x1xf32>
    %div3A = vector.broadcast %max3A_8 : vector<32x1xf32> to vector<32x32xf32>
    %div3A_9 = arith.divf %get3A_5, %div3A : vector<32x32xf32>
    %get3A_10 = arith.constant 0 : index
    %get3A_11 = arith.constant 0 : index
    %get3A_12 = vector.load %arg6[%get3A_10, %get3A_11] : memref<32x65536xf32, #tpu.memory_space<vmem>>, vector<32x8192xf32>
    %dot_general3A = arith.constant dense<0.000000e+00> : vector<32x8192xf32>
    %dot_general3A_13 = tpu.matmul %div3A_9, %get3A_12, %dot_general3A {dimension_numbers = #tpu.dot_dimension_numbers<[1], [0], [0], [1], [0, 0, 1, 1], [], []>, transpose_lhs_hint = false} : vector<32x32xf32>, vector<32x8192xf32>, vector<32x8192xf32> -> vector<32x8192xf32>
    %swap3A = arith.constant 0 : index
    %swap3A_14 = arith.constant 0 : index
    %swap3A_15 = arith.constant 0 : index
    %swap3A_16 = vector.load %arg4[%swap3A, %swap3A_14, %swap3A_15] : memref<1x32x65536xf32, #tpu.memory_space<vmem>>, vector<1x32x8192xf32>
    %swap3A_17 = vector.shape_cast %swap3A_16 : vector<1x32x8192xf32> to vector<32x8192xf32>
    %swap3A_18 = vector.shape_cast %dot_general3A_13 : vector<32x8192xf32> to vector<1x32x8192xf32>
    tpu.vector_store %arg4[%swap3A, %swap3A_14, %swap3A_15], %swap3A_18 {strides = array<i32>} : memref<1x32x65536xf32, #tpu.memory_space<vmem>>, vector<1x32x8192xf32>,
    %reshape3A = vector.shape_cast %dot_general3A_13 : vector<32x8192xf32> to vector<32x64x128xf32>
    %reduce_max3A = arith.constant dense<0xFF800000> : vector<32x64xf32>
    %reduce_max3A_19 = vector.multi_reduction <maximumf>, %reshape3A, %reduce_max3A [2] : vector<32x64x128xf32> to vector<32x64xf32>
    %get3A_20 = arith.constant 0 : index
    %get3A_21 = arith.constant 8192 : index
    %get3A_22 = vector.load %arg6[%get3A_20, %get3A_21] : memref<32x65536xf32, #tpu.memory_space<vmem>>, vector<32x8192xf32>
    %dot_general3A_23 = arith.constant dense<0.000000e+00> : vector<32x8192xf32>
    %dot_general3A_24 = tpu.matmul %div3A_9, %get3A_22, %dot_general3A_23 {dimension_numbers = #tpu.dot_dimension_numbers<[1], [0], [0], [1], [0, 0, 1, 1], [], []>, transpose_lhs_hint = false} : vector<32x32xf32>, vector<32x8192xf32>, vector<32x8192xf32> -> vector<32x8192xf32>
    %swap3A_25 = arith.constant 0 : index
    %swap3A_26 = arith.constant 0 : index
    %swap3A_27 = arith.constant 8192 : index
    %swap3A_28 = vector.load %arg4[%swap3A_25, %swap3A_26, %swap3A_27] : memref<1x32x65536xf32, #tpu.memory_space<vmem>>, vector<1x32x8192xf32>
    %swap3A_29 = vector.shape_cast %swap3A_28 : vector<1x32x8192xf32> to vector<32x8192xf32>
    %swap3A_30 = vector.shape_cast %dot_general3A_24 : vector<32x8192xf32> to vector<1x32x8192xf32>
    tpu.vector_store %arg4[%swap3A_25, %swap3A_26, %swap3A_27], %swap3A_30 {strides = array<i32>} : memref<1x32x65536xf32, #tpu.memory_space<vmem>>, vector<1x32x8192xf32>,
    %reshape3A_31 = vector.shape_cast %dot_general3A_24 : vector<32x8192xf32> to vector<32x64x128xf32>
    %reduce_max3A_32 = arith.constant dense<0xFF800000> : vector<32x64xf32>
    %reduce_max3A_33 = vector.multi_reduction <maximumf>, %reshape3A_31, %reduce_max3A_32 [2] : vector<32x64x128xf32> to vector<32x64xf32>
    %get3A_34 = arith.constant 0 : index
    %get3A_35 = arith.constant 16384 : index
    %get3A_36 = vector.load %arg6[%get3A_34, %get3A_35] : memref<32x65536xf32, #tpu.memory_space<vmem>>, vector<32x8192xf32>
    %dot_general3A_37 = arith.constant dense<0.000000e+00> : vector<32x8192xf32>
    %dot_general3A_38 = tpu.matmul %div3A_9, %get3A_36, %dot_general3A_37 {dimension_numbers = #tpu.dot_dimension_numbers<[1], [0], [0], [1], [0, 0, 1, 1], [], []>, transpose_lhs_hint = false} : vector<32x32xf32>, vector<32x8192xf32>, vector<32x8192xf32> -> vector<32x8192xf32>
    %swap3A_39 = arith.constant 0 : index
    %swap3A_40 = arith.constant 0 : index
    %swap3A_41 = arith.constant 16384 : index
    %swap3A_42 = vector.load %arg4[%swap3A_39, %swap3A_40, %swap3A_41] : memref<1x32x65536xf32, #tpu.memory_space<vmem>>, vector<1x32x8192xf32>
    %swap3A_43 = vector.shape_cast %swap3A_42 : vector<1x32x8192xf32> to vector<32x8192xf32>
    %swap3A_44 = vector.shape_cast %dot_general3A_38 : vector<32x8192xf32> to vector<1x32x8192xf32>
    tpu.vector_store %arg4[%swap3A_39, %swap3A_40, %swap3A_41], %swap3A_44 {strides = array<i32>} : memref<1x32x65536xf32, #tpu.memory_space<vmem>>, vector<1x32x8192xf32>,
    %reshape3A_45 = vector.shape_cast %dot_general3A_38 : vector<32x8192xf32> to vector<32x64x128xf32>
    %reduce_max3A_46 = arith.constant dense<0xFF800000> : vector<32x64xf32>
    %reduce_max3A_47 = vector.multi_reduction <maximumf>, %reshape3A_45, %reduce_max3A_46 [2] : vector<32x64x128xf32> to vector<32x64xf32>
    %get3A_48 = arith.constant 0 : index
    %get3A_49 = arith.constant 24576 : index
    %get3A_50 = vector.load %arg6[%get3A_48, %get3A_49] : memref<32x65536xf32, #tpu.memory_space<vmem>>, vector<32x8192xf32>
    %dot_general3A_51 = arith.constant dense<0.000000e+00> : vector<32x8192xf32>
    %dot_general3A_52 = tpu.matmul %div3A_9, %get3A_50, %dot_general3A_51 {dimension_numbers = #tpu.dot_dimension_numbers<[1], [0], [0], [1], [0, 0, 1, 1], [], []>, transpose_lhs_hint = false} : vector<32x32xf32>, vector<32x8192xf32>, vector<32x8192xf32> -> vector<32x8192xf32>
    %swap3A_53 = arith.constant 0 : index
    %swap3A_54 = arith.constant 0 : index
    %swap3A_55 = arith.constant 24576 : index
    %swap3A_56 = vector.load %arg4[%swap3A_53, %swap3A_54, %swap3A_55] : memref<1x32x65536xf32, #tpu.memory_space<vmem>>, vector<1x32x8192xf32>
    %swap3A_57 = vector.shape_cast %swap3A_56 : vector<1x32x8192xf32> to vector<32x8192xf32>
    %swap3A_58 = vector.shape_cast %dot_general3A_52 : vector<32x8192xf32> to vector<1x32x8192xf32>
    tpu.vector_store %arg4[%swap3A_53, %swap3A_54, %swap3A_55], %swap3A_58 {strides = array<i32>} : memref<1x32x65536xf32, #tpu.memory_space<vmem>>, vector<1x32x8192xf32>,
    %reshape3A_59 = vector.shape_cast %dot_general3A_52 : vector<32x8192xf32> to vector<32x64x128xf32>
    %reduce_max3A_60 = arith.constant dense<0xFF800000> : vector<32x64xf32>
    %reduce_max3A_61 = vector.multi_reduction <maximumf>, %reshape3A_59, %reduce_max3A_60 [2] : vector<32x64x128xf32> to vector<32x64xf32>
    %get3A_62 = arith.constant 0 : index
    %get3A_63 = arith.constant 32768 : index
    %get3A_64 = vector.load %arg6[%get3A_62, %get3A_63] : memref<32x65536xf32, #tpu.memory_space<vmem>>, vector<32x8192xf32>
    %dot_general3A_65 = arith.constant dense<0.000000e+00> : vector<32x8192xf32>
    %dot_general3A_66 = tpu.matmul %div3A_9, %get3A_64, %dot_general3A_65 {dimension_numbers = #tpu.dot_dimension_numbers<[1], [0], [0], [1], [0, 0, 1, 1], [], []>, transpose_lhs_hint = false} : vector<32x32xf32>, vector<32x8192xf32>, vector<32x8192xf32> -> vector<32x8192xf32>
    %swap3A_67 = arith.constant 0 : index
    %swap3A_68 = arith.constant 0 : index
    %swap3A_69 = arith.constant 32768 : index
    %swap3A_70 = vector.load %arg4[%swap3A_67, %swap3A_68, %swap3A_69] : memref<1x32x65536xf32, #tpu.memory_space<vmem>>, vector<1x32x8192xf32>
    %swap3A_71 = vector.shape_cast %swap3A_70 : vector<1x32x8192xf32> to vector<32x8192xf32>
    %swap3A_72 = vector.shape_cast %dot_general3A_66 : vector<32x8192xf32> to vector<1x32x8192xf32>
    tpu.vector_store %arg4[%swap3A_67, %swap3A_68, %swap3A_69], %swap3A_72 {strides = array<i32>} : memref<1x32x65536xf32, #tpu.memory_space<vmem>>, vector<1x32x8192xf32>,
    %reshape3A_73 = vector.shape_cast %dot_general3A_66 : vector<32x8192xf32> to vector<32x64x128xf32>
    %reduce_max3A_74 = arith.constant dense<0xFF800000> : vector<32x64xf32>
    %reduce_max3A_75 = vector.multi_reduction <maximumf>, %reshape3A_73, %reduce_max3A_74 [2] : vector<32x64x128xf32> to vector<32x64xf32>
    %get3A_76 = arith.constant 0 : index
    %get3A_77 = arith.constant 40960 : index
    %get3A_78 = vector.load %arg6[%get3A_76, %get3A_77] : memref<32x65536xf32, #tpu.memory_space<vmem>>, vector<32x8192xf32>
    %dot_general3A_79 = arith.constant dense<0.000000e+00> : vector<32x8192xf32>
    %dot_general3A_80 = tpu.matmul %div3A_9, %get3A_78, %dot_general3A_79 {dimension_numbers = #tpu.dot_dimension_numbers<[1], [0], [0], [1], [0, 0, 1, 1], [], []>, transpose_lhs_hint = false} : vector<32x32xf32>, vector<32x8192xf32>, vector<32x8192xf32> -> vector<32x8192xf32>
    %swap3A_81 = arith.constant 0 : index
    %swap3A_82 = arith.constant 0 : index
    %swap3A_83 = arith.constant 40960 : index
    %swap3A_84 = vector.load %arg4[%swap3A_81, %swap3A_82, %swap3A_83] : memref<1x32x65536xf32, #tpu.memory_space<vmem>>, vector<1x32x8192xf32>
    %swap3A_85 = vector.shape_cast %swap3A_84 : vector<1x32x8192xf32> to vector<32x8192xf32>
    %swap3A_86 = vector.shape_cast %dot_general3A_80 : vector<32x8192xf32> to vector<1x32x8192xf32>
    tpu.vector_store %arg4[%swap3A_81, %swap3A_82, %swap3A_83], %swap3A_86 {strides = array<i32>} : memref<1x32x65536xf32, #tpu.memory_space<vmem>>, vector<1x32x8192xf32>,
    %reshape3A_87 = vector.shape_cast %dot_general3A_80 : vector<32x8192xf32> to vector<32x64x128xf32>
    %reduce_max3A_88 = arith.constant dense<0xFF800000> : vector<32x64xf32>
    %reduce_max3A_89 = vector.multi_reduction <maximumf>, %reshape3A_87, %reduce_max3A_88 [2] : vector<32x64x128xf32> to vector<32x64xf32>
    %get3A_90 = arith.constant 0 : index
    %get3A_91 = arith.constant 49152 : index
    %get3A_92 = vector.load %arg6[%get3A_90, %get3A_91] : memref<32x65536xf32, #tpu.memory_space<vmem>>, vector<32x8192xf32>
    %dot_general3A_93 = arith.constant dense<0.000000e+00> : vector<32x8192xf32>
    %dot_general3A_94 = tpu.matmul %div3A_9, %get3A_92, %dot_general3A_93 {dimension_numbers = #tpu.dot_dimension_numbers<[1], [0], [0], [1], [0, 0, 1, 1], [], []>, transpose_lhs_hint = false} : vector<32x32xf32>, vector<32x8192xf32>, vector<32x8192xf32> -> vector<32x8192xf32>
    %swap3A_95 = arith.constant 0 : index
    %swap3A_96 = arith.constant 0 : index
    %swap3A_97 = arith.constant 49152 : index
    %swap3A_98 = vector.load %arg4[%swap3A_95, %swap3A_96, %swap3A_97] : memref<1x32x65536xf32, #tpu.memory_space<vmem>>, vector<1x32x8192xf32>
    %swap3A_99 = vector.shape_cast %swap3A_98 : vector<1x32x8192xf32> to vector<32x8192xf32>
    %swap3A_100 = vector.shape_cast %dot_general3A_94 : vector<32x8192xf32> to vector<1x32x8192xf32>
    tpu.vector_store %arg4[%swap3A_95, %swap3A_96, %swap3A_97], %swap3A_100 {strides = array<i32>} : memref<1x32x65536xf32, #tpu.memory_space<vmem>>, vector<1x32x8192xf32>,
    %reshape3A_101 = vector.shape_cast %dot_general3A_94 : vector<32x8192xf32> to vector<32x64x128xf32>
    %reduce_max3A_102 = arith.constant dense<0xFF800000> : vector<32x64xf32>
    %reduce_max3A_103 = vector.multi_reduction <maximumf>, %reshape3A_101, %reduce_max3A_102 [2] : vector<32x64x128xf32> to vector<32x64xf32>
    %get3A_104 = arith.constant 0 : index
    %get3A_105 = arith.constant 57344 : index
    %get3A_106 = vector.load %arg6[%get3A_104, %get3A_105] : memref<32x65536xf32, #tpu.memory_space<vmem>>, vector<32x8192xf32>
    %dot_general3A_107 = arith.constant dense<0.000000e+00> : vector<32x8192xf32>
    %dot_general3A_108 = tpu.matmul %div3A_9, %get3A_106, %dot_general3A_107 {dimension_numbers = #tpu.dot_dimension_numbers<[1], [0], [0], [1], [0, 0, 1, 1], [], []>, transpose_lhs_hint = false} : vector<32x32xf32>, vector<32x8192xf32>, vector<32x8192xf32> -> vector<32x8192xf32>
    %swap3A_109 = arith.constant 0 : index
    %swap3A_110 = arith.constant 0 : index
    %swap3A_111 = arith.constant 57344 : index
    %swap3A_112 = vector.load %arg4[%swap3A_109, %swap3A_110, %swap3A_111] : memref<1x32x65536xf32, #tpu.memory_space<vmem>>, vector<1x32x8192xf32>
    %swap3A_113 = vector.shape_cast %swap3A_112 : vector<1x32x8192xf32> to vector<32x8192xf32>
    %swap3A_114 = vector.shape_cast %dot_general3A_108 : vector<32x8192xf32> to vector<1x32x8192xf32>
    tpu.vector_store %arg4[%swap3A_109, %swap3A_110, %swap3A_111], %swap3A_114 {strides = array<i32>} : memref<1x32x65536xf32, #tpu.memory_space<vmem>>, vector<1x32x8192xf32>,
    %reshape3A_115 = vector.shape_cast %dot_general3A_108 : vector<32x8192xf32> to vector<32x64x128xf32>
    %reduce_max3A_116 = arith.constant dense<0xFF800000> : vector<32x64xf32>
    %reduce_max3A_117 = vector.multi_reduction <maximumf>, %reshape3A_115, %reduce_max3A_116 [2] : vector<32x64x128xf32> to vector<32x64xf32>
    %concatenate3A = tpu.concatenate %reduce_max3A_19, %reduce_max3A_33, %reduce_max3A_47, %reduce_max3A_61, %reduce_max3A_75, %reduce_max3A_89, %reduce_max3A_103, %reduce_max3A_117 in 1 : vector<32x64xf32>, vector<32x64xf32>, vector<32x64xf32>, vector<32x64xf32>, vector<32x64xf32>, vector<32x64xf32>, vector<32x64xf32>, vector<32x64xf32> -> vector<32x512xf32>
    %iota3A = tpu.iota {dimensions = array<i32: 1>} : vector<32x512xi32>
    %iota3A_118 = tpu.iota {dimensions = array<i32: 1>} : vector<32x16xi32>
    %broadcast_in_dim3A_119 = arith.constant 0 : i32
    %broadcast_in_dim3A_120 = vector.broadcast %broadcast_in_dim3A_119 : i32 to vector<32x16xi32>
    %reduce_max3A_121 = arith.constant dense<0xFF800000> : vector<32xf32>
    %reduce_max3A_122 = vector.multi_reduction <maximumf>, %concatenate3A, %reduce_max3A_121 [1] : vector<32x512xf32> to vector<32xf32>
    %broadcast_in_dim3A_123 = vector.shape_cast %reduce_max3A_122 : vector<32xf32> to vector<32x1xf32>
    %ge3A = vector.broadcast %broadcast_in_dim3A_123 : vector<32x1xf32> to vector<32x512xf32>
    %ge3A_124 = arith.cmpf oge, %concatenate3A, %ge3A : vector<32x512xf32>
    %jit3A = arith.constant 1073741824 : i32
    %broadcast_in_dim3A_125 = vector.broadcast %jit3A : i32 to vector<32x512xi32>
    %select_n3A = arith.select %ge3A_124, %iota3A, %broadcast_in_dim3A_125 : vector<32x512xi1>, vector<32x512xi32>
    %reduce_min3A = arith.constant dense<2147483647> : vector<32xi32>
    %reduce_min3A_126 = vector.multi_reduction <minsi>, %select_n3A, %reduce_min3A [1] : vector<32x512xi32> to vector<32xi32>
    %broadcast_in_dim3A_127 = vector.shape_cast %reduce_min3A_126 : vector<32xi32> to vector<32x1xi32>
    %eq3A_128 = arith.constant 0 : i32
    %eq3A_129 = vector.broadcast %eq3A_128 : i32 to vector<32x16xi32>
    %eq3A_130 = arith.cmpi eq, %iota3A_118, %eq3A_129 : vector<32x16xi32>
    %broadcast_in_dim3A_131 = vector.shape_cast %broadcast_in_dim3A_127 : vector<32x1xi32> to vector<32x1xi32>
    %broadcast_in_dim3A_132 = vector.broadcast %broadcast_in_dim3A_131 : vector<32x1xi32> to vector<32x16xi32>
    %select_n3A_133 = arith.select %eq3A_130, %broadcast_in_dim3A_132, %broadcast_in_dim3A_120 : vector<32x16xi1>, vector<32x16xi32>
    %eq3A_134 = vector.broadcast %broadcast_in_dim3A_127 : vector<32x1xi32> to vector<32x512xi32>
    %eq3A_135 = arith.cmpi eq, %iota3A, %eq3A_134 : vector<32x512xi32>
    %jit3A_136 = arith.constant -3.000000e+38 : f32
    %broadcast_in_dim3A_137 = vector.broadcast %jit3A_136 : f32 to vector<32x512xf32>
    %select_n3A_138 = arith.select %eq3A_135, %broadcast_in_dim3A_137, %concatenate3A : vector<32x512xi1>, vector<32x512xf32>
    %reduce_max3A_139 = arith.constant dense<0xFF800000> : vector<32xf32>
    %reduce_max3A_140 = vector.multi_reduction <maximumf>, %select_n3A_138, %reduce_max3A_139 [1] : vector<32x512xf32> to vector<32xf32>
    %broadcast_in_dim3A_141 = vector.shape_cast %reduce_max3A_140 : vector<32xf32> to vector<32x1xf32>
    %ge3A_142 = vector.broadcast %broadcast_in_dim3A_141 : vector<32x1xf32> to vector<32x512xf32>
    %ge3A_143 = arith.cmpf oge, %select_n3A_138, %ge3A_142 : vector<32x512xf32>
    %jit3A_144 = arith.constant 1073741824 : i32
    %broadcast_in_dim3A_145 = vector.broadcast %jit3A_144 : i32 to vector<32x512xi32>
    %select_n3A_146 = arith.select %ge3A_143, %iota3A, %broadcast_in_dim3A_145 : vector<32x512xi1>, vector<32x512xi32>
    %reduce_min3A_147 = arith.constant dense<2147483647> : vector<32xi32>
    %reduce_min3A_148 = vector.multi_reduction <minsi>, %select_n3A_146, %reduce_min3A_147 [1] : vector<32x512xi32> to vector<32xi32>
    %broadcast_in_dim3A_149 = vector.shape_cast %reduce_min3A_148 : vector<32xi32> to vector<32x1xi32>
    %eq3A_150 = arith.constant 1 : i32
    %eq3A_151 = vector.broadcast %eq3A_150 : i32 to vector<32x16xi32>
    %eq3A_152 = arith.cmpi eq, %iota3A_118, %eq3A_151 : vector<32x16xi32>
    %broadcast_in_dim3A_153 = vector.shape_cast %broadcast_in_dim3A_149 : vector<32x1xi32> to vector<32x1xi32>
    %broadcast_in_dim3A_154 = vector.broadcast %broadcast_in_dim3A_153 : vector<32x1xi32> to vector<32x16xi32>
    %select_n3A_155 = arith.select %eq3A_152, %broadcast_in_dim3A_154, %select_n3A_133 : vector<32x16xi1>, vector<32x16xi32>
    %eq3A_156 = vector.broadcast %broadcast_in_dim3A_149 : vector<32x1xi32> to vector<32x512xi32>
    %eq3A_157 = arith.cmpi eq, %iota3A, %eq3A_156 : vector<32x512xi32>
    %jit3A_158 = arith.constant -3.000000e+38 : f32
    %broadcast_in_dim3A_159 = vector.broadcast %jit3A_158 : f32 to vector<32x512xf32>
    %select_n3A_160 = arith.select %eq3A_157, %broadcast_in_dim3A_159, %select_n3A_138 : vector<32x512xi1>, vector<32x512xf32>
    %reduce_max3A_161 = arith.constant dense<0xFF800000> : vector<32xf32>
    %reduce_max3A_162 = vector.multi_reduction <maximumf>, %select_n3A_160, %reduce_max3A_161 [1] : vector<32x512xf32> to vector<32xf32>
    %broadcast_in_dim3A_163 = vector.shape_cast %reduce_max3A_162 : vector<32xf32> to vector<32x1xf32>
    %ge3A_164 = vector.broadcast %broadcast_in_dim3A_163 : vector<32x1xf32> to vector<32x512xf32>
    %ge3A_165 = arith.cmpf oge, %select_n3A_160, %ge3A_164 : vector<32x512xf32>
    %jit3A_166 = arith.constant 1073741824 : i32
    %broadcast_in_dim3A_167 = vector.broadcast %jit3A_166 : i32 to vector<32x512xi32>
    %select_n3A_168 = arith.select %ge3A_165, %iota3A, %broadcast_in_dim3A_167 : vector<32x512xi1>, vector<32x512xi32>
    %reduce_min3A_169 = arith.constant dense<2147483647> : vector<32xi32>
    %reduce_min3A_170 = vector.multi_reduction <minsi>, %select_n3A_168, %reduce_min3A_169 [1] : vector<32x512xi32> to vector<32xi32>
    %broadcast_in_dim3A_171 = vector.shape_cast %reduce_min3A_170 : vector<32xi32> to vector<32x1xi32>
    %eq3A_172 = arith.constant 2 : i32
    %eq3A_173 = vector.broadcast %eq3A_172 : i32 to vector<32x16xi32>
    %eq3A_174 = arith.cmpi eq, %iota3A_118, %eq3A_173 : vector<32x16xi32>
    %broadcast_in_dim3A_175 = vector.shape_cast %broadcast_in_dim3A_171 : vector<32x1xi32> to vector<32x1xi32>
    %broadcast_in_dim3A_176 = vector.broadcast %broadcast_in_dim3A_175 : vector<32x1xi32> to vector<32x16xi32>
    %select_n3A_177 = arith.select %eq3A_174, %broadcast_in_dim3A_176, %select_n3A_155 : vector<32x16xi1>, vector<32x16xi32>
    %eq3A_178 = vector.broadcast %broadcast_in_dim3A_171 : vector<32x1xi32> to vector<32x512xi32>
    %eq3A_179 = arith.cmpi eq, %iota3A, %eq3A_178 : vector<32x512xi32>
    %jit3A_180 = arith.constant -3.000000e+38 : f32
    %broadcast_in_dim3A_181 = vector.broadcast %jit3A_180 : f32 to vector<32x512xf32>
    %select_n3A_182 = arith.select %eq3A_179, %broadcast_in_dim3A_181, %select_n3A_160 : vector<32x512xi1>, vector<32x512xf32>
    %reduce_max3A_183 = arith.constant dense<0xFF800000> : vector<32xf32>
    %reduce_max3A_184 = vector.multi_reduction <maximumf>, %select_n3A_182, %reduce_max3A_183 [1] : vector<32x512xf32> to vector<32xf32>
    %broadcast_in_dim3A_185 = vector.shape_cast %reduce_max3A_184 : vector<32xf32> to vector<32x1xf32>
    %ge3A_186 = vector.broadcast %broadcast_in_dim3A_185 : vector<32x1xf32> to vector<32x512xf32>
    %ge3A_187 = arith.cmpf oge, %select_n3A_182, %ge3A_186 : vector<32x512xf32>
    %jit3A_188 = arith.constant 1073741824 : i32
    %broadcast_in_dim3A_189 = vector.broadcast %jit3A_188 : i32 to vector<32x512xi32>
    %select_n3A_190 = arith.select %ge3A_187, %iota3A, %broadcast_in_dim3A_189 : vector<32x512xi1>, vector<32x512xi32>
    %reduce_min3A_191 = arith.constant dense<2147483647> : vector<32xi32>
    %reduce_min3A_192 = vector.multi_reduction <minsi>, %select_n3A_190, %reduce_min3A_191 [1] : vector<32x512xi32> to vector<32xi32>
    %broadcast_in_dim3A_193 = vector.shape_cast %reduce_min3A_192 : vector<32xi32> to vector<32x1xi32>
    %eq3A_194 = arith.constant 3 : i32
    %eq3A_195 = vector.broadcast %eq3A_194 : i32 to vector<32x16xi32>
    %eq3A_196 = arith.cmpi eq, %iota3A_118, %eq3A_195 : vector<32x16xi32>
    %broadcast_in_dim3A_197 = vector.shape_cast %broadcast_in_dim3A_193 : vector<32x1xi32> to vector<32x1xi32>
    %broadcast_in_dim3A_198 = vector.broadcast %broadcast_in_dim3A_197 : vector<32x1xi32> to vector<32x16xi32>
    %select_n3A_199 = arith.select %eq3A_196, %broadcast_in_dim3A_198, %select_n3A_177 : vector<32x16xi1>, vector<32x16xi32>
    %eq3A_200 = vector.broadcast %broadcast_in_dim3A_193 : vector<32x1xi32> to vector<32x512xi32>
    %eq3A_201 = arith.cmpi eq, %iota3A, %eq3A_200 : vector<32x512xi32>
    %jit3A_202 = arith.constant -3.000000e+38 : f32
    %broadcast_in_dim3A_203 = vector.broadcast %jit3A_202 : f32 to vector<32x512xf32>
    %select_n3A_204 = arith.select %eq3A_201, %broadcast_in_dim3A_203, %select_n3A_182 : vector<32x512xi1>, vector<32x512xf32>
    %reduce_max3A_205 = arith.constant dense<0xFF800000> : vector<32xf32>
    %reduce_max3A_206 = vector.multi_reduction <maximumf>, %select_n3A_204, %reduce_max3A_205 [1] : vector<32x512xf32> to vector<32xf32>
    %broadcast_in_dim3A_207 = vector.shape_cast %reduce_max3A_206 : vector<32xf32> to vector<32x1xf32>
    %ge3A_208 = vector.broadcast %broadcast_in_dim3A_207 : vector<32x1xf32> to vector<32x512xf32>
    %ge3A_209 = arith.cmpf oge, %select_n3A_204, %ge3A_208 : vector<32x512xf32>
    %jit3A_210 = arith.constant 1073741824 : i32
    %broadcast_in_dim3A_211 = vector.broadcast %jit3A_210 : i32 to vector<32x512xi32>
    %select_n3A_212 = arith.select %ge3A_209, %iota3A, %broadcast_in_dim3A_211 : vector<32x512xi1>, vector<32x512xi32>
    %reduce_min3A_213 = arith.constant dense<2147483647> : vector<32xi32>
    %reduce_min3A_214 = vector.multi_reduction <minsi>, %select_n3A_212, %reduce_min3A_213 [1] : vector<32x512xi32> to vector<32xi32>
    %broadcast_in_dim3A_215 = vector.shape_cast %reduce_min3A_214 : vector<32xi32> to vector<32x1xi32>
    %eq3A_216 = arith.constant 4 : i32
    %eq3A_217 = vector.broadcast %eq3A_216 : i32 to vector<32x16xi32>
    %eq3A_218 = arith.cmpi eq, %iota3A_118, %eq3A_217 : vector<32x16xi32>
    %broadcast_in_dim3A_219 = vector.shape_cast %broadcast_in_dim3A_215 : vector<32x1xi32> to vector<32x1xi32>
    %broadcast_in_dim3A_220 = vector.broadcast %broadcast_in_dim3A_219 : vector<32x1xi32> to vector<32x16xi32>
    %select_n3A_221 = arith.select %eq3A_218, %broadcast_in_dim3A_220, %select_n3A_199 : vector<32x16xi1>, vector<32x16xi32>
    %eq3A_222 = vector.broadcast %broadcast_in_dim3A_215 : vector<32x1xi32> to vector<32x512xi32>
    %eq3A_223 = arith.cmpi eq, %iota3A, %eq3A_222 : vector<32x512xi32>
    %jit3A_224 = arith.constant -3.000000e+38 : f32
    %broadcast_in_dim3A_225 = vector.broadcast %jit3A_224 : f32 to vector<32x512xf32>
    %select_n3A_226 = arith.select %eq3A_223, %broadcast_in_dim3A_225, %select_n3A_204 : vector<32x512xi1>, vector<32x512xf32>
    %reduce_max3A_227 = arith.constant dense<0xFF800000> : vector<32xf32>
    %reduce_max3A_228 = vector.multi_reduction <maximumf>, %select_n3A_226, %reduce_max3A_227 [1] : vector<32x512xf32> to vector<32xf32>
    %broadcast_in_dim3A_229 = vector.shape_cast %reduce_max3A_228 : vector<32xf32> to vector<32x1xf32>
    %ge3A_230 = vector.broadcast %broadcast_in_dim3A_229 : vector<32x1xf32> to vector<32x512xf32>
    %ge3A_231 = arith.cmpf oge, %select_n3A_226, %ge3A_230 : vector<32x512xf32>
    %jit3A_232 = arith.constant 1073741824 : i32
    %broadcast_in_dim3A_233 = vector.broadcast %jit3A_232 : i32 to vector<32x512xi32>
    %select_n3A_234 = arith.select %ge3A_231, %iota3A, %broadcast_in_dim3A_233 : vector<32x512xi1>, vector<32x512xi32>
    %reduce_min3A_235 = arith.constant dense<2147483647> : vector<32xi32>
    %reduce_min3A_236 = vector.multi_reduction <minsi>, %select_n3A_234, %reduce_min3A_235 [1] : vector<32x512xi32> to vector<32xi32>
    %broadcast_in_dim3A_237 = vector.shape_cast %reduce_min3A_236 : vector<32xi32> to vector<32x1xi32>
    %eq3A_238 = arith.constant 5 : i32
    %eq3A_239 = vector.broadcast %eq3A_238 : i32 to vector<32x16xi32>
    %eq3A_240 = arith.cmpi eq, %iota3A_118, %eq3A_239 : vector<32x16xi32>
    %broadcast_in_dim3A_241 = vector.shape_cast %broadcast_in_dim3A_237 : vector<32x1xi32> to vector<32x1xi32>
    %broadcast_in_dim3A_242 = vector.broadcast %broadcast_in_dim3A_241 : vector<32x1xi32> to vector<32x16xi32>
    %select_n3A_243 = arith.select %eq3A_240, %broadcast_in_dim3A_242, %select_n3A_221 : vector<32x16xi1>, vector<32x16xi32>
    %eq3A_244 = vector.broadcast %broadcast_in_dim3A_237 : vector<32x1xi32> to vector<32x512xi32>
    %eq3A_245 = arith.cmpi eq, %iota3A, %eq3A_244 : vector<32x512xi32>
    %jit3A_246 = arith.constant -3.000000e+38 : f32
    %broadcast_in_dim3A_247 = vector.broadcast %jit3A_246 : f32 to vector<32x512xf32>
    %select_n3A_248 = arith.select %eq3A_245, %broadcast_in_dim3A_247, %select_n3A_226 : vector<32x512xi1>, vector<32x512xf32>
    %reduce_max3A_249 = arith.constant dense<0xFF800000> : vector<32xf32>
    %reduce_max3A_250 = vector.multi_reduction <maximumf>, %select_n3A_248, %reduce_max3A_249 [1] : vector<32x512xf32> to vector<32xf32>
    %broadcast_in_dim3A_251 = vector.shape_cast %reduce_max3A_250 : vector<32xf32> to vector<32x1xf32>
    %ge3A_252 = vector.broadcast %broadcast_in_dim3A_251 : vector<32x1xf32> to vector<32x512xf32>
    %ge3A_253 = arith.cmpf oge, %select_n3A_248, %ge3A_252 : vector<32x512xf32>
    %jit3A_254 = arith.constant 1073741824 : i32
    %broadcast_in_dim3A_255 = vector.broadcast %jit3A_254 : i32 to vector<32x512xi32>
    %select_n3A_256 = arith.select %ge3A_253, %iota3A, %broadcast_in_dim3A_255 : vector<32x512xi1>, vector<32x512xi32>
    %reduce_min3A_257 = arith.constant dense<2147483647> : vector<32xi32>
    %reduce_min3A_258 = vector.multi_reduction <minsi>, %select_n3A_256, %reduce_min3A_257 [1] : vector<32x512xi32> to vector<32xi32>
    %broadcast_in_dim3A_259 = vector.shape_cast %reduce_min3A_258 : vector<32xi32> to vector<32x1xi32>
    %eq3A_260 = arith.constant 6 : i32
    %eq3A_261 = vector.broadcast %eq3A_260 : i32 to vector<32x16xi32>
    %eq3A_262 = arith.cmpi eq, %iota3A_118, %eq3A_261 : vector<32x16xi32>
    %broadcast_in_dim3A_263 = vector.shape_cast %broadcast_in_dim3A_259 : vector<32x1xi32> to vector<32x1xi32>
    %broadcast_in_dim3A_264 = vector.broadcast %broadcast_in_dim3A_263 : vector<32x1xi32> to vector<32x16xi32>
    %select_n3A_265 = arith.select %eq3A_262, %broadcast_in_dim3A_264, %select_n3A_243 : vector<32x16xi1>, vector<32x16xi32>
    %eq3A_266 = vector.broadcast %broadcast_in_dim3A_259 : vector<32x1xi32> to vector<32x512xi32>
    %eq3A_267 = arith.cmpi eq, %iota3A, %eq3A_266 : vector<32x512xi32>
    %jit3A_268 = arith.constant -3.000000e+38 : f32
    %broadcast_in_dim3A_269 = vector.broadcast %jit3A_268 : f32 to vector<32x512xf32>
    %select_n3A_270 = arith.select %eq3A_267, %broadcast_in_dim3A_269, %select_n3A_248 : vector<32x512xi1>, vector<32x512xf32>
    %reduce_max3A_271 = arith.constant dense<0xFF800000> : vector<32xf32>
    %reduce_max3A_272 = vector.multi_reduction <maximumf>, %select_n3A_270, %reduce_max3A_271 [1] : vector<32x512xf32> to vector<32xf32>
    %broadcast_in_dim3A_273 = vector.shape_cast %reduce_max3A_272 : vector<32xf32> to vector<32x1xf32>
    %ge3A_274 = vector.broadcast %broadcast_in_dim3A_273 : vector<32x1xf32> to vector<32x512xf32>
    %ge3A_275 = arith.cmpf oge, %select_n3A_270, %ge3A_274 : vector<32x512xf32>
    %jit3A_276 = arith.constant 1073741824 : i32
    %broadcast_in_dim3A_277 = vector.broadcast %jit3A_276 : i32 to vector<32x512xi32>
    %select_n3A_278 = arith.select %ge3A_275, %iota3A, %broadcast_in_dim3A_277 : vector<32x512xi1>, vector<32x512xi32>
    %reduce_min3A_279 = arith.constant dense<2147483647> : vector<32xi32>
    %reduce_min3A_280 = vector.multi_reduction <minsi>, %select_n3A_278, %reduce_min3A_279 [1] : vector<32x512xi32> to vector<32xi32>
    %broadcast_in_dim3A_281 = vector.shape_cast %reduce_min3A_280 : vector<32xi32> to vector<32x1xi32>
    %eq3A_282 = arith.constant 7 : i32
    %eq3A_283 = vector.broadcast %eq3A_282 : i32 to vector<32x16xi32>
    %eq3A_284 = arith.cmpi eq, %iota3A_118, %eq3A_283 : vector<32x16xi32>
    %broadcast_in_dim3A_285 = vector.shape_cast %broadcast_in_dim3A_281 : vector<32x1xi32> to vector<32x1xi32>
    %broadcast_in_dim3A_286 = vector.broadcast %broadcast_in_dim3A_285 : vector<32x1xi32> to vector<32x16xi32>
    %select_n3A_287 = arith.select %eq3A_284, %broadcast_in_dim3A_286, %select_n3A_265 : vector<32x16xi1>, vector<32x16xi32>
    %eq3A_288 = vector.broadcast %broadcast_in_dim3A_281 : vector<32x1xi32> to vector<32x512xi32>
    %eq3A_289 = arith.cmpi eq, %iota3A, %eq3A_288 : vector<32x512xi32>
    %jit3A_290 = arith.constant -3.000000e+38 : f32
    %broadcast_in_dim3A_291 = vector.broadcast %jit3A_290 : f32 to vector<32x512xf32>
    %select_n3A_292 = arith.select %eq3A_289, %broadcast_in_dim3A_291, %select_n3A_270 : vector<32x512xi1>, vector<32x512xf32>
    %reduce_max3A_293 = arith.constant dense<0xFF800000> : vector<32xf32>
    %reduce_max3A_294 = vector.multi_reduction <maximumf>, %select_n3A_292, %reduce_max3A_293 [1] : vector<32x512xf32> to vector<32xf32>
    %broadcast_in_dim3A_295 = vector.shape_cast %reduce_max3A_294 : vector<32xf32> to vector<32x1xf32>
    %ge3A_296 = vector.broadcast %broadcast_in_dim3A_295 : vector<32x1xf32> to vector<32x512xf32>
    %ge3A_297 = arith.cmpf oge, %select_n3A_292, %ge3A_296 : vector<32x512xf32>
    %jit3A_298 = arith.constant 1073741824 : i32
    %broadcast_in_dim3A_299 = vector.broadcast %jit3A_298 : i32 to vector<32x512xi32>
    %select_n3A_300 = arith.select %ge3A_297, %iota3A, %broadcast_in_dim3A_299 : vector<32x512xi1>, vector<32x512xi32>
    %reduce_min3A_301 = arith.constant dense<2147483647> : vector<32xi32>
    %reduce_min3A_302 = vector.multi_reduction <minsi>, %select_n3A_300, %reduce_min3A_301 [1] : vector<32x512xi32> to vector<32xi32>
    %broadcast_in_dim3A_303 = vector.shape_cast %reduce_min3A_302 : vector<32xi32> to vector<32x1xi32>
    %eq3A_304 = arith.constant 8 : i32
    %eq3A_305 = vector.broadcast %eq3A_304 : i32 to vector<32x16xi32>
    %eq3A_306 = arith.cmpi eq, %iota3A_118, %eq3A_305 : vector<32x16xi32>
    %broadcast_in_dim3A_307 = vector.shape_cast %broadcast_in_dim3A_303 : vector<32x1xi32> to vector<32x1xi32>
    %broadcast_in_dim3A_308 = vector.broadcast %broadcast_in_dim3A_307 : vector<32x1xi32> to vector<32x16xi32>
    %select_n3A_309 = arith.select %eq3A_306, %broadcast_in_dim3A_308, %select_n3A_287 : vector<32x16xi1>, vector<32x16xi32>
    %eq3A_310 = vector.broadcast %broadcast_in_dim3A_303 : vector<32x1xi32> to vector<32x512xi32>
    %eq3A_311 = arith.cmpi eq, %iota3A, %eq3A_310 : vector<32x512xi32>
    %jit3A_312 = arith.constant -3.000000e+38 : f32
    %broadcast_in_dim3A_313 = vector.broadcast %jit3A_312 : f32 to vector<32x512xf32>
    %select_n3A_314 = arith.select %eq3A_311, %broadcast_in_dim3A_313, %select_n3A_292 : vector<32x512xi1>, vector<32x512xf32>
    %reduce_max3A_315 = arith.constant dense<0xFF800000> : vector<32xf32>
    %reduce_max3A_316 = vector.multi_reduction <maximumf>, %select_n3A_314, %reduce_max3A_315 [1] : vector<32x512xf32> to vector<32xf32>
    %broadcast_in_dim3A_317 = vector.shape_cast %reduce_max3A_316 : vector<32xf32> to vector<32x1xf32>
    %ge3A_318 = vector.broadcast %broadcast_in_dim3A_317 : vector<32x1xf32> to vector<32x512xf32>
    %ge3A_319 = arith.cmpf oge, %select_n3A_314, %ge3A_318 : vector<32x512xf32>
    %jit3A_320 = arith.constant 1073741824 : i32
    %broadcast_in_dim3A_321 = vector.broadcast %jit3A_320 : i32 to vector<32x512xi32>
    %select_n3A_322 = arith.select %ge3A_319, %iota3A, %broadcast_in_dim3A_321 : vector<32x512xi1>, vector<32x512xi32>
    %reduce_min3A_323 = arith.constant dense<2147483647> : vector<32xi32>
    %reduce_min3A_324 = vector.multi_reduction <minsi>, %select_n3A_322, %reduce_min3A_323 [1] : vector<32x512xi32> to vector<32xi32>
    %broadcast_in_dim3A_325 = vector.shape_cast %reduce_min3A_324 : vector<32xi32> to vector<32x1xi32>
    %eq3A_326 = arith.constant 9 : i32
    %eq3A_327 = vector.broadcast %eq3A_326 : i32 to vector<32x16xi32>
    %eq3A_328 = arith.cmpi eq, %iota3A_118, %eq3A_327 : vector<32x16xi32>
    %broadcast_in_dim3A_329 = vector.shape_cast %broadcast_in_dim3A_325 : vector<32x1xi32> to vector<32x1xi32>
    %broadcast_in_dim3A_330 = vector.broadcast %broadcast_in_dim3A_329 : vector<32x1xi32> to vector<32x16xi32>
    %select_n3A_331 = arith.select %eq3A_328, %broadcast_in_dim3A_330, %select_n3A_309 : vector<32x16xi1>, vector<32x16xi32>
    %eq3A_332 = vector.broadcast %broadcast_in_dim3A_325 : vector<32x1xi32> to vector<32x512xi32>
    %eq3A_333 = arith.cmpi eq, %iota3A, %eq3A_332 : vector<32x512xi32>
    %jit3A_334 = arith.constant -3.000000e+38 : f32
    %broadcast_in_dim3A_335 = vector.broadcast %jit3A_334 : f32 to vector<32x512xf32>
    %select_n3A_336 = arith.select %eq3A_333, %broadcast_in_dim3A_335, %select_n3A_314 : vector<32x512xi1>, vector<32x512xf32>
    %reduce_max3A_337 = arith.constant dense<0xFF800000> : vector<32xf32>
    %reduce_max3A_338 = vector.multi_reduction <maximumf>, %select_n3A_336, %reduce_max3A_337 [1] : vector<32x512xf32> to vector<32xf32>
    %broadcast_in_dim3A_339 = vector.shape_cast %reduce_max3A_338 : vector<32xf32> to vector<32x1xf32>
    %ge3A_340 = vector.broadcast %broadcast_in_dim3A_339 : vector<32x1xf32> to vector<32x512xf32>
    %ge3A_341 = arith.cmpf oge, %select_n3A_336, %ge3A_340 : vector<32x512xf32>
    %jit3A_342 = arith.constant 1073741824 : i32
    %broadcast_in_dim3A_343 = vector.broadcast %jit3A_342 : i32 to vector<32x512xi32>
    %select_n3A_344 = arith.select %ge3A_341, %iota3A, %broadcast_in_dim3A_343 : vector<32x512xi1>, vector<32x512xi32>
    %reduce_min3A_345 = arith.constant dense<2147483647> : vector<32xi32>
    %reduce_min3A_346 = vector.multi_reduction <minsi>, %select_n3A_344, %reduce_min3A_345 [1] : vector<32x512xi32> to vector<32xi32>
    %broadcast_in_dim3A_347 = vector.shape_cast %reduce_min3A_346 : vector<32xi32> to vector<32x1xi32>
    %eq3A_348 = arith.constant 10 : i32
    %eq3A_349 = vector.broadcast %eq3A_348 : i32 to vector<32x16xi32>
    %eq3A_350 = arith.cmpi eq, %iota3A_118, %eq3A_349 : vector<32x16xi32>
    %broadcast_in_dim3A_351 = vector.shape_cast %broadcast_in_dim3A_347 : vector<32x1xi32> to vector<32x1xi32>
    %broadcast_in_dim3A_352 = vector.broadcast %broadcast_in_dim3A_351 : vector<32x1xi32> to vector<32x16xi32>
    %select_n3A_353 = arith.select %eq3A_350, %broadcast_in_dim3A_352, %select_n3A_331 : vector<32x16xi1>, vector<32x16xi32>
    %eq3A_354 = vector.broadcast %broadcast_in_dim3A_347 : vector<32x1xi32> to vector<32x512xi32>
    %eq3A_355 = arith.cmpi eq, %iota3A, %eq3A_354 : vector<32x512xi32>
    %jit3A_356 = arith.constant -3.000000e+38 : f32
    %broadcast_in_dim3A_357 = vector.broadcast %jit3A_356 : f32 to vector<32x512xf32>
    %select_n3A_358 = arith.select %eq3A_355, %broadcast_in_dim3A_357, %select_n3A_336 : vector<32x512xi1>, vector<32x512xf32>
    %reduce_max3A_359 = arith.constant dense<0xFF800000> : vector<32xf32>
    %reduce_max3A_360 = vector.multi_reduction <maximumf>, %select_n3A_358, %reduce_max3A_359 [1] : vector<32x512xf32> to vector<32xf32>
    %broadcast_in_dim3A_361 = vector.shape_cast %reduce_max3A_360 : vector<32xf32> to vector<32x1xf32>
    %ge3A_362 = vector.broadcast %broadcast_in_dim3A_361 : vector<32x1xf32> to vector<32x512xf32>
    %ge3A_363 = arith.cmpf oge, %select_n3A_358, %ge3A_362 : vector<32x512xf32>
    %jit3A_364 = arith.constant 1073741824 : i32
    %broadcast_in_dim3A_365 = vector.broadcast %jit3A_364 : i32 to vector<32x512xi32>
    %select_n3A_366 = arith.select %ge3A_363, %iota3A, %broadcast_in_dim3A_365 : vector<32x512xi1>, vector<32x512xi32>
    %reduce_min3A_367 = arith.constant dense<2147483647> : vector<32xi32>
    %reduce_min3A_368 = vector.multi_reduction <minsi>, %select_n3A_366, %reduce_min3A_367 [1] : vector<32x512xi32> to vector<32xi32>
    %broadcast_in_dim3A_369 = vector.shape_cast %reduce_min3A_368 : vector<32xi32> to vector<32x1xi32>
    %eq3A_370 = arith.constant 11 : i32
    %eq3A_371 = vector.broadcast %eq3A_370 : i32 to vector<32x16xi32>
    %eq3A_372 = arith.cmpi eq, %iota3A_118, %eq3A_371 : vector<32x16xi32>
    %broadcast_in_dim3A_373 = vector.shape_cast %broadcast_in_dim3A_369 : vector<32x1xi32> to vector<32x1xi32>
    %broadcast_in_dim3A_374 = vector.broadcast %broadcast_in_dim3A_373 : vector<32x1xi32> to vector<32x16xi32>
    %select_n3A_375 = arith.select %eq3A_372, %broadcast_in_dim3A_374, %select_n3A_353 : vector<32x16xi1>, vector<32x16xi32>
    %eq3A_376 = vector.broadcast %broadcast_in_dim3A_369 : vector<32x1xi32> to vector<32x512xi32>
    %eq3A_377 = arith.cmpi eq, %iota3A, %eq3A_376 : vector<32x512xi32>
    %jit3A_378 = arith.constant -3.000000e+38 : f32
    %broadcast_in_dim3A_379 = vector.broadcast %jit3A_378 : f32 to vector<32x512xf32>
    %select_n3A_380 = arith.select %eq3A_377, %broadcast_in_dim3A_379, %select_n3A_358 : vector<32x512xi1>, vector<32x512xf32>
    %reduce_max3A_381 = arith.constant dense<0xFF800000> : vector<32xf32>
    %reduce_max3A_382 = vector.multi_reduction <maximumf>, %select_n3A_380, %reduce_max3A_381 [1] : vector<32x512xf32> to vector<32xf32>
    %broadcast_in_dim3A_383 = vector.shape_cast %reduce_max3A_382 : vector<32xf32> to vector<32x1xf32>
    %ge3A_384 = vector.broadcast %broadcast_in_dim3A_383 : vector<32x1xf32> to vector<32x512xf32>
    %ge3A_385 = arith.cmpf oge, %select_n3A_380, %ge3A_384 : vector<32x512xf32>
    %jit3A_386 = arith.constant 1073741824 : i32
    %broadcast_in_dim3A_387 = vector.broadcast %jit3A_386 : i32 to vector<32x512xi32>
    %select_n3A_388 = arith.select %ge3A_385, %iota3A, %broadcast_in_dim3A_387 : vector<32x512xi1>, vector<32x512xi32>
    %reduce_min3A_389 = arith.constant dense<2147483647> : vector<32xi32>
    %reduce_min3A_390 = vector.multi_reduction <minsi>, %select_n3A_388, %reduce_min3A_389 [1] : vector<32x512xi32> to vector<32xi32>
    %broadcast_in_dim3A_391 = vector.shape_cast %reduce_min3A_390 : vector<32xi32> to vector<32x1xi32>
    %eq3A_392 = arith.constant 12 : i32
    %eq3A_393 = vector.broadcast %eq3A_392 : i32 to vector<32x16xi32>
    %eq3A_394 = arith.cmpi eq, %iota3A_118, %eq3A_393 : vector<32x16xi32>
    %broadcast_in_dim3A_395 = vector.shape_cast %broadcast_in_dim3A_391 : vector<32x1xi32> to vector<32x1xi32>
    %broadcast_in_dim3A_396 = vector.broadcast %broadcast_in_dim3A_395 : vector<32x1xi32> to vector<32x16xi32>
    %select_n3A_397 = arith.select %eq3A_394, %broadcast_in_dim3A_396, %select_n3A_375 : vector<32x16xi1>, vector<32x16xi32>
    %eq3A_398 = vector.broadcast %broadcast_in_dim3A_391 : vector<32x1xi32> to vector<32x512xi32>
    %eq3A_399 = arith.cmpi eq, %iota3A, %eq3A_398 : vector<32x512xi32>
    %jit3A_400 = arith.constant -3.000000e+38 : f32
    %broadcast_in_dim3A_401 = vector.broadcast %jit3A_400 : f32 to vector<32x512xf32>
    %select_n3A_402 = arith.select %eq3A_399, %broadcast_in_dim3A_401, %select_n3A_380 : vector<32x512xi1>, vector<32x512xf32>
    %reduce_max3A_403 = arith.constant dense<0xFF800000> : vector<32xf32>
    %reduce_max3A_404 = vector.multi_reduction <maximumf>, %select_n3A_402, %reduce_max3A_403 [1] : vector<32x512xf32> to vector<32xf32>
    %broadcast_in_dim3A_405 = vector.shape_cast %reduce_max3A_404 : vector<32xf32> to vector<32x1xf32>
    %ge3A_406 = vector.broadcast %broadcast_in_dim3A_405 : vector<32x1xf32> to vector<32x512xf32>
    %ge3A_407 = arith.cmpf oge, %select_n3A_402, %ge3A_406 : vector<32x512xf32>
    %jit3A_408 = arith.constant 1073741824 : i32
    %broadcast_in_dim3A_409 = vector.broadcast %jit3A_408 : i32 to vector<32x512xi32>
    %select_n3A_410 = arith.select %ge3A_407, %iota3A, %broadcast_in_dim3A_409 : vector<32x512xi1>, vector<32x512xi32>
    %reduce_min3A_411 = arith.constant dense<2147483647> : vector<32xi32>
    %reduce_min3A_412 = vector.multi_reduction <minsi>, %select_n3A_410, %reduce_min3A_411 [1] : vector<32x512xi32> to vector<32xi32>
    %broadcast_in_dim3A_413 = vector.shape_cast %reduce_min3A_412 : vector<32xi32> to vector<32x1xi32>
    %eq3A_414 = arith.constant 13 : i32
    %eq3A_415 = vector.broadcast %eq3A_414 : i32 to vector<32x16xi32>
    %eq3A_416 = arith.cmpi eq, %iota3A_118, %eq3A_415 : vector<32x16xi32>
    %broadcast_in_dim3A_417 = vector.shape_cast %broadcast_in_dim3A_413 : vector<32x1xi32> to vector<32x1xi32>
    %broadcast_in_dim3A_418 = vector.broadcast %broadcast_in_dim3A_417 : vector<32x1xi32> to vector<32x16xi32>
    %select_n3A_419 = arith.select %eq3A_416, %broadcast_in_dim3A_418, %select_n3A_397 : vector<32x16xi1>, vector<32x16xi32>
    %eq3A_420 = vector.broadcast %broadcast_in_dim3A_413 : vector<32x1xi32> to vector<32x512xi32>
    %eq3A_421 = arith.cmpi eq, %iota3A, %eq3A_420 : vector<32x512xi32>
    %jit3A_422 = arith.constant -3.000000e+38 : f32
    %broadcast_in_dim3A_423 = vector.broadcast %jit3A_422 : f32 to vector<32x512xf32>
    %select_n3A_424 = arith.select %eq3A_421, %broadcast_in_dim3A_423, %select_n3A_402 : vector<32x512xi1>, vector<32x512xf32>
    %reduce_max3A_425 = arith.constant dense<0xFF800000> : vector<32xf32>
    %reduce_max3A_426 = vector.multi_reduction <maximumf>, %select_n3A_424, %reduce_max3A_425 [1] : vector<32x512xf32> to vector<32xf32>
    %broadcast_in_dim3A_427 = vector.shape_cast %reduce_max3A_426 : vector<32xf32> to vector<32x1xf32>
    %ge3A_428 = vector.broadcast %broadcast_in_dim3A_427 : vector<32x1xf32> to vector<32x512xf32>
    %ge3A_429 = arith.cmpf oge, %select_n3A_424, %ge3A_428 : vector<32x512xf32>
    %jit3A_430 = arith.constant 1073741824 : i32
    %broadcast_in_dim3A_431 = vector.broadcast %jit3A_430 : i32 to vector<32x512xi32>
    %select_n3A_432 = arith.select %ge3A_429, %iota3A, %broadcast_in_dim3A_431 : vector<32x512xi1>, vector<32x512xi32>
    %reduce_min3A_433 = arith.constant dense<2147483647> : vector<32xi32>
    %reduce_min3A_434 = vector.multi_reduction <minsi>, %select_n3A_432, %reduce_min3A_433 [1] : vector<32x512xi32> to vector<32xi32>
    %broadcast_in_dim3A_435 = vector.shape_cast %reduce_min3A_434 : vector<32xi32> to vector<32x1xi32>
    %eq3A_436 = arith.constant 14 : i32
    %eq3A_437 = vector.broadcast %eq3A_436 : i32 to vector<32x16xi32>
    %eq3A_438 = arith.cmpi eq, %iota3A_118, %eq3A_437 : vector<32x16xi32>
    %broadcast_in_dim3A_439 = vector.shape_cast %broadcast_in_dim3A_435 : vector<32x1xi32> to vector<32x1xi32>
    %broadcast_in_dim3A_440 = vector.broadcast %broadcast_in_dim3A_439 : vector<32x1xi32> to vector<32x16xi32>
    %select_n3A_441 = arith.select %eq3A_438, %broadcast_in_dim3A_440, %select_n3A_419 : vector<32x16xi1>, vector<32x16xi32>
    %eq3A_442 = vector.broadcast %broadcast_in_dim3A_435 : vector<32x1xi32> to vector<32x512xi32>
    %eq3A_443 = arith.cmpi eq, %iota3A, %eq3A_442 : vector<32x512xi32>
    %jit3A_444 = arith.constant -3.000000e+38 : f32
    %broadcast_in_dim3A_445 = vector.broadcast %jit3A_444 : f32 to vector<32x512xf32>
    %select_n3A_446 = arith.select %eq3A_443, %broadcast_in_dim3A_445, %select_n3A_424 : vector<32x512xi1>, vector<32x512xf32>
    %reduce_max3A_447 = arith.constant dense<0xFF800000> : vector<32xf32>
    %reduce_max3A_448 = vector.multi_reduction <maximumf>, %select_n3A_446, %reduce_max3A_447 [1] : vector<32x512xf32> to vector<32xf32>
    %broadcast_in_dim3A_449 = vector.shape_cast %reduce_max3A_448 : vector<32xf32> to vector<32x1xf32>
    %ge3A_450 = vector.broadcast %broadcast_in_dim3A_449 : vector<32x1xf32> to vector<32x512xf32>
    %ge3A_451 = arith.cmpf oge, %select_n3A_446, %ge3A_450 : vector<32x512xf32>
    %jit3A_452 = arith.constant 1073741824 : i32
    %broadcast_in_dim3A_453 = vector.broadcast %jit3A_452 : i32 to vector<32x512xi32>
    %select_n3A_454 = arith.select %ge3A_451, %iota3A, %broadcast_in_dim3A_453 : vector<32x512xi1>, vector<32x512xi32>
    %reduce_min3A_455 = arith.constant dense<2147483647> : vector<32xi32>
    %reduce_min3A_456 = vector.multi_reduction <minsi>, %select_n3A_454, %reduce_min3A_455 [1] : vector<32x512xi32> to vector<32xi32>
    %broadcast_in_dim3A_457 = vector.shape_cast %reduce_min3A_456 : vector<32xi32> to vector<32x1xi32>
    %eq3A_458 = arith.constant 15 : i32
    %eq3A_459 = vector.broadcast %eq3A_458 : i32 to vector<32x16xi32>
    %eq3A_460 = arith.cmpi eq, %iota3A_118, %eq3A_459 : vector<32x16xi32>
    %broadcast_in_dim3A_461 = vector.shape_cast %broadcast_in_dim3A_457 : vector<32x1xi32> to vector<32x1xi32>
    %broadcast_in_dim3A_462 = vector.broadcast %broadcast_in_dim3A_461 : vector<32x1xi32> to vector<32x16xi32>
    %select_n3A_463 = arith.select %eq3A_460, %broadcast_in_dim3A_462, %select_n3A_441 : vector<32x16xi1>, vector<32x16xi32>
    %swap3A_464 = arith.constant 0 : index
    %swap3A_465 = arith.constant 0 : index
    %swap3A_466 = arith.constant 0 : index
    %swap3A_467 = vector.load %arg5[%swap3A_464, %swap3A_465, %swap3A_466] : memref<1x32x16xi32, #tpu.memory_space<vmem>>, vector<1x32x16xi32>
    %swap3A_468 = vector.shape_cast %swap3A_467 : vector<1x32x16xi32> to vector<32x16xi32>
    %swap3A_469 = vector.shape_cast %select_n3A_463 : vector<32x16xi32> to vector<1x32x16xi32>
    tpu.vector_store %arg5[%swap3A_464, %swap3A_465, %swap3A_466], %swap3A_469 {strides = array<i32>} : memref<1x32x16xi32, #tpu.memory_space<vmem>>, vector<1x32x16xi32>,
    return
  }
  func.func @transform_0(%arg0: i32, %arg1: i32) -> (i32, i32, i32) {
    %c0_i32 = arith.constant 0 : i32
    %c0_i32_0 = arith.constant 0 : i32
    return %arg0, %arg1, %c0_i32 : i32, i32, i32
  }
  func.func @transform_1(%arg0: i32, %arg1: i32) -> (i32, i32, i32) {
    %c0_i32 = arith.constant 0 : i32
    %c0_i32_0 = arith.constant 0 : i32
    %c0_i32_1 = arith.constant 0 : i32
    return %arg0, %c0_i32, %c0_i32_0 : i32, i32, i32
  }
  func.func @transform_2(%arg0: i32, %arg1: i32) -> (i32, i32, i32) {
    %c0_i32 = arith.constant 0 : i32
    %c0_i32_0 = arith.constant 0 : i32
    return %arg0, %arg1, %c0_i32 : i32, i32, i32
  }
  func.func @transform_3(%arg0: i32, %arg1: i32) -> (i32, i32, i32) {
    %c0_i32 = arith.constant 0 : i32
    %c0_i32_0 = arith.constant 0 : i32
    return %arg0, %arg1, %c0_i32 : i32, i32, i32
  }
}

</mosaic_0001>

<sc_bundles>
// kernel: kernel.4.cloned.1.call-start
scs
__scs_entry_jumppad:
0x0: {  	(pc) =	sbr.rel $0x88, $3  }
0x1: {  	(tag) =	ssettag $0x0;
	lr =	simm.s32 $0x1  }
0x2: {  	[smem:$0x3F9F] =	sst lr;
	_ =	strace $0xD0000000  }
0x3: {  	_ = 	snop  }
0x4: {  	_ = 	snop  }
0x5: {  	_ = 	snop  }
0x6: {  	_ = 	snop  }
0x7: {  	_ = 	snop  }
__scs_overlays_trampoline_lowered:
0x8: {  	[smem:$0x3FAE] =	sst s0  }
0x9: {  	[smem:$0x3FAF] =	sst s1  }
0xa: {  	[smem:$0x3FB0] =	sst s2  }
0xb: {  	[smem:$0x3FB1] =	sst s3  }
0xc: {  	[smem:$0x3FB2] =	sst s4  }
0xd: {  	[smem:$0x3FB3] =	sst s5  }
0xe: {  	[smem:$0x3FB4] =	sst s6  }
0xf: {  	[smem:$0x3FB5] =	sst s7  }
0x10: {  	[smem:$0x3FB6] =	sst s8  }
0x11: {  	[smem:$0x3FB7] =	sst s9;
	s0 =	simm.s32 @!p0 $0x0  }
0x12: {  	s1 =	sld [smem:$0x3F9D];
	s0 =	simm.s32 @p0 $0x1  }
0x13: {  	[smem:$0x3FB8] =	sst s0;
	s0 =	simm.s32 @!p1 $0x0  }
0x14: {  	s2 =	sld [smem:$0x3F9C];
	s0 =	simm.s32 @p1 $0x1  }
0x15: {  	[smem:$0x3FB9] =	sst s0;
	s0 =	simm.s32 @!p2 $0x0  }
0x16: {  	s3 =	sld [smem:$0x3FDB];
	s0 =	simm.s32 @p2 $0x1  }
0x17: {  	s4 =	simm.s32 $0x1BF5;
	[smem:$0x3FBB] =	sst s0  }
0x18: {  	s0 =	sld [smem:$0x3F9E];
	_ =	swait.ge [sflag:s4], $0x0  }
0x19: {  	s7 =	sld [smem:$0x3F9F]  }
0x1a: {  	s8 =	sadd.s32 $0xFFFFE003, lr  }
0x1b: {  	s9 =	sadd.s32 $0xFFFFFEF7, lr;
	s5 =	simm.s32 $0xFFFFFFFF;
	p2 =	slt.u32 s8, $0xFFFFF086  }
0x1c: {  	p1 =	slt.u32 s9, $0xF7A;
	s5 =	simm.s32 @!p2 $0x0  }
0x1d: {  	s5 =	simm.s32 @p1 $0x1;
	p0 =	seq.s32 s7, s2  }
0x1e: {  	s7 =	smul.u32 @!p0 $0xF7A, s2;
	p2 =	seq.s32 @!p0 s5, $0x0  }
0x1f: {  	s9 =	smul.u32 $0xF7A, s1;
	s8 =	simm.s32 @!p0 $0x1BF5;
	p2 =	por !p2, p0  }
0x20: {  	[sflag:s8] =	ssyncset.s32 @!p0 $0xFFFFF086;
	s6 =	sadd.s32 @!p0 s3, s7;
	s7 =	simm.s32 @!p0 $0x108  }
0x21: {  	s3 =	sadd.s32 s3, s9;
	s6 =	sadd.s32 @!p0 $0x88, s6;
	s7 =	simm.s32 @p2 $0x1082  }
0x22: {  	[simem:s7], [sflag:s8] =	dma.local @!p0 [hbm:s6], $0xF7A  }
0x23: {  	s9 =	sor.u32 $0xD0000000, s2;
	s6 =	simm.s32 $0x108;
	_ =	swait.ge @!p0 [sflag:s8], $0x0  }
0x24: {  	s3 =	sadd.s32 $0x88, s3;
	s6 =	simm.s32 @!p1 $0x1082;
	[sflag:s4] =	ssyncset.s32 $0xFFFFF086  }
0x25: {  	[simem:s6], [sflag:s4] =	dma.local [hbm:s3], $0xF7A  }
0x26: {  	[smem:$0x3F9F] =	sst s1;
	(tag) =	ssettag s2;
	_ =	strace s9  }
0x27: {  	s1 =	sld [smem:$0x3FAF]  }
0x28: {  	s2 =	sld [smem:$0x3FB0]  }
0x29: {  	s4 =	sld [smem:$0x3FB2]  }
0x2a: {  	p0 =	seq.s32 s5, $0x0;
	s5 =	sld [smem:$0x3FB3]  }
0x2b: {  	s6 =	sld [smem:$0x3FB4]  }
0x2c: {  	s7 =	sld [smem:$0x3FB5]  }
0x2d: {  	s3 =	simm.s32 $0x108;
	s8 =	sld [smem:$0x3FB6]  }
0x2e: {  	s3 =	simm.s32 @!p0 $0x1082;
	s9 =	sld [smem:$0x3FB7]  }
0x2f: {  	lr =	sadd.s32 s0, s3;
	s0 =	sld [smem:$0x3FAE]  }
0x30: {  	s3 =	sld [smem:$0x3FB1]  }
0x31: {  	[smem:$0x3FBA] =	sst s10  }
0x32: {  	s10 =	sld [smem:$0x3FB8];
	_ =	sdelay $0x3  }
0x33: {  	p0 =	seq.s32 s10, $0x1;
	s10 =	sld [smem:$0x3FBA];
	_ =	sdelay $0x3  }
0x34: {  	[smem:$0x3FBA] =	sst s10  }
0x35: {  	s10 =	sld [smem:$0x3FB9];
	_ =	sdelay $0x3  }
0x36: {  	p1 =	seq.s32 s10, $0x1;
	s10 =	sld [smem:$0x3FBA];
	_ =	sdelay $0x3  }
0x37: {  	[smem:$0x3FBA] =	sst s10  }
0x38: {  	s10 =	sld [smem:$0x3FBB]  }
0x39: {  	_ = 	snop;
	(pc) =	sbr.ind lr, $3  }
0x3a: {  	_ = 	snop  }
0x3b: {  	_ = 	snop  }
0x3c: {  	p2 =	seq.s32 s10, $0x1;
	s10 =	sld [smem:$0x3FBA]  }
0x3d: {  	_ =	shalt  }
0x3e: {  	_ =	shalt  }
0x3f: {  	_ =	shalt  }
0x40: {  	_ =	shalt  }
0x41: {  	_ =	shalt  }
0x42: {  	_ =	shalt  }
0x43: {  	_ =	shalt  }
0x44: {  	_ =	shalt  }
0x45: {  	_ =	shalt  }
0x46: {  	_ =	shalt  }
0x47: {  	_ =	shalt  }
0x48: {  	_ =	shalt  }
0x49: {  	_ =	shalt  }
0x4a: {  	_ =	shalt  }
0x4b: {  	_ =	shalt  }
0x4c: {  	_ =	shalt  }
0x4d: {  	_ =	shalt  }
0x4e: {  	_ =	shalt  }
0x4f: {  	_ =	shalt  }
0x50: {  	_ =	shalt  }
0x51: {  	_ =	shalt  }
0x52: {  	_ =	shalt  }
0x53: {  	_ =	shalt  }
0x54: {  	_ =	shalt  }
0x55: {  	_ =	shalt  }
0x56: {  	_ =	shalt  }
0x57: {  	_ =	shalt  }
0x58: {  	_ =	shalt  }
0x59: {  	_ =	shalt  }
0x5a: {  	_ =	shalt  }
0x5b: {  	_ =	shalt  }
0x5c: {  	_ =	shalt  }
0x5d: {  	_ =	shalt  }
0x5e: {  	_ =	shalt  }
0x5f: {  	_ =	shalt  }
0x60: {  	_ =	shalt  }
0x61: {  	_ =	shalt  }
0x62: {  	_ =	shalt  }
0x63: {  	_ =	shalt  }
0x64: {  	_ =	shalt  }
0x65: {  	_ =	shalt  }
0x66: {  	_ =	shalt  }
0x67: {  	_ =	shalt  }
0x68: {  	_ =	shalt  }
0x69: {  	_ =	shalt  }
0x6a: {  	_ =	shalt  }
0x6b: {  	_ =	shalt  }
0x6c: {  	_ =	shalt  }
0x6d: {  	_ =	shalt  }
0x6e: {  	_ =	shalt  }
0x6f: {  	_ =	shalt  }
0x70: {  	_ =	shalt  }
0x71: {  	_ =	shalt  }
0x72: {  	_ =	shalt  }
0x73: {  	_ =	shalt  }
0x74: {  	_ =	shalt  }
0x75: {  	_ =	shalt  }
0x76: {  	_ =	shalt  }
0x77: {  	_ =	shalt  }
0x78: {  	_ =	shalt  }
0x79: {  	_ =	shalt  }
0x7a: {  	_ =	shalt  }
0x7b: {  	_ =	shalt  }
0x7c: {  	_ =	shalt  }
0x7d: {  	_ =	shalt  }
0x7e: {  	_ =	shalt  }
0x7f: {  	_ =	shalt  }
0x80: {  	_ =	shalt  }
0x81: {  	_ =	shalt  }
0x82: {  	_ =	shalt  }
0x83: {  	_ =	shalt  }
0x84: {  	_ =	shalt  }
0x85: {  	_ =	shalt  }
0x86: {  	_ =	shalt  }
0x87: {  	_ =	shalt  }
.Lfunc_end0:
.L_simem_size_0:
called_computation_lowered:
.L_overlay_start_0:
0x88: {  	s2 =	sld [smem:$0x3FD9]  }
0x89: {  	s3 =	sld [smem:$0x3FFE];
	_ =	sdelay $0x1  }
0x8a: {  	s1 =	srdreg.scid  }
0x8b: {  	s0 =	sand.u32 $0x1, s1  }
0x8c: {  	s14 =	sshll.u32 s0, $0xA;
	s2 =	sadd.s32 s3, s2  }
0x8d: {  	s2 =	sadd.s32 s2, s14  }
0x8e: {  	[smem:$0x3FC6] =	sst s2  }
0x8f: {  	_ = 	snop  }
0x90: {  	s2 =	sld [smem:$0x3FD0];
	_ =	sdelay $0x2  }
0x91: {  	s15 =	simm.s32 $0xA;
	s4 =	simm.s32 $0x10  }
0x92: {  	[smem:s4], [sflag:s15] =	dma.local [hbm:s2], $0x1  }
0x93: {  	_ =	swait.eq [sflag:s15], $0x1  }
0x94: {  	[sflag:s15] =	ssyncset.done $0x0  }
0x95: {  	[sflag:s15] =	ssyncadd.s32 $0xFFFFFFFF  }
0x96: {  	s16 =	sld [smem:$0x10];
	(tm) =	ssettm $0x1  }
0x97: {  	s17 =	sld [smem:$0x3FFB];
	_ =	sdelay $0x3  }
0x98: {  	_ =	strace s17  }
0x99: {  	s3 =	sld [smem:$0x3FFC];
	_ =	sdelay $0x3  }
0x9a: {  	_ =	strace s3  }
0x9b: {  	s3 =	sld [smem:$0x3FFD];
	_ =	sdelay $0x3  }
0x9c: {  	_ =	strace s3  }
0x9d: {  	_ =	strace $0x8FFFFFFF  }
0x9e: {  	s18 =	sld [smem:$0x3FDB];
	_ =	sdelay $0x1  }
0x9f: {  	s19 =	simm.s32 $_scs_section_size  }
0xa0: {  	s5 =	simm.s32 $_size__tile_overlayer_lowered;
	s6 =	simm.s32 $_tile_overlayer_lowered  }
0xa1: {  	s22 =	simm.s32 $0x1BFF;
	s21 =	sshll.u32 s6, $0x1;
	s3 =	sadd.s32 s19, s18  }
0xa2: {  	s7 =	simm.s32 $0x0;
	s20 =	sshll.u32 s5, $0x1;
	s5 =	sadd.s32 s21, s3  }
0xa3: {  	[timem:s7], [sflag:s22] =	dma.local [hbm:s5], s20  }
0xa4: {  	_ =	swait.ge [sflag:s22], s20  }
0xa5: {  	s4 =	ssub.s32 $0x0, s20;
	[sflag:s22] =	ssyncset.done $0x0  }
0xa6: {  	[sflag:s22] =	ssyncadd.s32 s4;
	_ =	sdelay $0x1  }
0xa7: {  	s23 =	simm.s32 $0x1B8B  }
0xa8: {  	_ =	swait.ge [sflag:s23], $0x1  }
0xa9: {  	[sflag:s23] =	ssyncset.done $0x0  }
0xaa: {  	s25 =	simm.s32 $0x1B8E;
	s24 =	sld [smem:$0x3FFE];
	[sflag:s23] =	ssyncadd.s32 $0xFFFFFFFF  }
0xab: {  	s26 =	simm.s32 $execute0_lowered;
	[smem:$0x3FD2] =	sst s25  }
0xac: {  	s5 =	sshll.u32 s26, $0x1;
	_ =	strace $0x80000046;
	[dreg:$0x1] =	wrdreg $0xFFFFFFFF  }
0xad: {  	s28 =	simm.s32 $_size_execute0_lowered;
	s3 =	sadd.s32 s3, s5;
	[dreg:$0x0] =	wrdreg $0x0  }
0xae: {  	s5 =	sshll.u32 s28, $0x1;
	[dreg:$0x2] =	wrdreg s3  }
0xaf: {  	[dreg:$0x3] =	wrdreg s5  }
0xb0: {  	[dreg:$0x4] =	wrdreg $0xC0  }
0xb1: {  	_ =	task [dreg:s7], $0x5FFFF  }
0xb2: {  	[dreg:$0x1] =	wrdreg $0xFFFFFFFF  }
0xb3: {  	[dreg:$0x0] =	wrdreg $0x60  }
0xb4: {  	[dreg:$0x2] =	wrdreg s24  }
0xb5: {  	[dreg:$0x3] =	wrdreg s16  }
0xb6: {  	[dreg:$0x4] =	wrdreg $0x9  }
0xb7: {  	_ =	task.clear_ibuf [dreg:s7], $0x5FFFF;
	_ =	strace $0x90000046  }
0xb8: {  	s29 =	simm.s32 $0x9;
	_ =	strace $0x80000048  }
0xb9: {  	_ =	swait.ge [sflag:s29], $0x1  }
0xba: {  	[sflag:s29] =	ssyncadd.s32 $0xFFFFFFFF  }
0xbb: {  	_ =	strace $0x90000048  }
0xbc: {  	_ =	sfence  }
0xbd: {  	s30 =	sld [smem:$0x0];
	_ =	sdelay $0x2  }
0xbe: {  	s31 =	sshll.u32 s1, $0xD;
	s1 =	sshrl.u32 s1, $0x2  }
0xbf: {  	s3 =	sand.u32 $0x4000, s31;
	s1 =	sadd.s32 s1, s30  }
0xc0: {  	s0 =	sor.u32 s3, s0;
	s1 =	sshll.u32 s1, $0x11  }
0xc1: {  	s0 =	sor.u32 s1, s0  }
0xc2: {  	s0 =	sadd.s32 $0x8F2B, s0  }
0xc3: {  	[sflag:s0] =	ssyncadd.remote.s32 $0x1  }
0xc4: {  	_ =	sfence.sel $0xFFFF  }
0xc5: {  	[dreg:$0x0] =	wrdreg $0xFFFFFFFF;
	(pc) =	sbr.abs _section_cstart, $3  }
0xc6: {  	[dreg:$0x1] =	wrdreg $0xFFFFFFFF  }
0xc7: {  	_ =	task.clear_ibuf [dreg:s7], $0x2FFFF;
	_ =	strace $0x9FFFFFFF  }
0xc8: {  	(tm) =	ssettm $0x7FFFFFFF  }
0xc9: {  	_ =	shalt  }
tec
execute0_lowered:
.L_overlay_start_1:
0x0: {  	(tag) =	ssettag $0x1  }
0x1: {  	s5 =	rddreg [dreg:$0x0]  }
0x2: {  	s1 =	rddreg [dreg:$0x1]  }
0x3: {  	v0 =	vlaneseq.u32;
	s0 =	rddreg [dreg:$0x2];
	s3 =	simm.s32 $0x0;
	s4 =	srdreg.scid;
	v1 =	vimm.f32 $0.0e+00  }
0x4: {  	s2 =	stileid.u32;
	vm0 =	vmmov $0xffff;
	v3 =	vimm.s32 $0x1;
	v4 =	vimm.s32 $0x2;
	s10 =	simm.s32 $0x80;
	s11 =	simm.s32 $0x400  }
0x5: {  	v5 =	vimm.s32 $0x3;
	v6 =	vimm.s32 $0x4;
	v7 =	vimm.s32 $0x5;
	s12 =	simm.s32 $0x0;
	[smem:$0x7FF] =	sst s3;
	s6 =	sand.u32 $0x1, s4  }
0x6: {  	v8 =	vimm.s32 $0x6;
	v9 =	vimm.s32 $0x7;
	v10 =	vimm.s32 $0x8;
	s8 =	sshll.u32 s2, $0x1;
	s4 =	sadd.s32 $0x6600, s5;
	s7 =	ssub.s32 $0x2, s6  }
0x7: {  	v11 =	vimm.s32 $0x9;
	v12 =	vimm.s32 $0xA;
	v2 =	vmul.u32 $0xFFFFFFFF, v0;
	s5 =	sadd.s32 $0x600, s5;
	_ =	strace $0x80000047;
	s9 =	sshrl.u32 s7, $0x1  }
0x8: {  	v13 =	vimm.s32 $0xB;
	v14 =	vimm.s32 $0xC;
	v15 =	vimm.s32 $0xD;
	s6 =	sor.u32 s6, s8;
	s8 =	simm.s32 $0x10800;
	s7 =	ssub.s32 s7, s9  }
0x9: {  	v16 =	vimm.s32 $0xE;
	v17 =	vimm.s32 $0xF;
	v2 =	vadd.s32 $0xF, v2;
	s6 =	smul.u32 $0x30, s6;
	s9 =	simm.s32 $0x1;
	s7 =	smax.u32 s7, $0x1  }
.LBB2_1:
0xa: {  	s13 =	simm.s32 $0x40;
	s14 =	simm.s32 $0x0  }
.LBB2_2:
0xb: {  	p0 =	sne.s32 s13, $0x3FFC0;
	[tilespmem:s14+$0x0] =	vst v1;
	s14 =	smov.u32 s13;
	s13 =	sadd.s32 $0x40, s13  }
.Ltmp0:
0xc: {  	(pc) =	sbr.rel @p0 .LBB2_2-.Ltmp0, $2  }
0xd: {  	_ =	sdelay $0x2  }
0xe: {  	s14 =	sshra.s32 s14, $0x2  }
0xf: {  	[tilespmem:s14+$0x0] =	vst v1;
	s13 =	simm.s32 $0x0;
	s14 =	simm.s32 $0x0  }
.LBB2_4:
0x10: {  	s17 =	sadd.s32 s6, s14  }
0x11: {  	s16 =	sshll.u32 s14, $0x7;
	s15 =	sshrl.u32 s17, $0x3  }
0x12: {  	s16 =	sand.u32 $0x380, s16;
	s18 =	sshll.u32 s15, $0xA  }
0x13: {  	s18 =	sor.u32 s16, s18  }
0x14: {  	s18 =	sshrl.u32 s18, $0x3  }
0x15: {  	s18 =	sadd.s32 s5, s18  }
0x16: {  	[tilespmem:s8], [sflag:$0x1] =	stream.linear.gather [hbm4b:s18+s13], $0x80, $0x38;
	[tilespmem:$0x10880] =	vst v63  }
0x17: {  	_ =	swait.ge [sflag:s9], $0x80  }
0x18: {  	[sflag:s9] =	ssyncset.done $0x0  }
0x19: {  	[sflag:s9] =	ssyncadd.s32 $0xFFFFFF80  }
0x1a: {  	v18 =	vld [tilespmem:$0x10800];
	_ =	sdelay $0x3  }
0x1b: {  	s17 =	sshll.u32 s17, $0x9  }
0x1c: {  	v19 =	vadd.s32 s17, v18;
	_ =	sdelay $0x3  }
0x1d: {  	s29 =	simm.s32 $0x10000  }
0x1e: {  	[tilespmem:s29], [sflag:$0x1] =	stream.indirect_vreg.gather [hbm4b:s4+s13], $0x80, v19, vm0, $0xb8;
	[tilespmem:$0x10880] =	vst v63  }
0x1f: {  	_ =	swait.ge [sflag:s9], $0x800  }
0x20: {  	[sflag:s9] =	ssyncset.done $0x0  }
0x21: {  	v20 =	vimm.s32 $0x0;
	[sflag:s9] =	ssyncadd.s32 $0xFFFFF800  }
0x22: {  	v19 =	vperm.xlane v18, v20;
	v21 =	vld [tilespmem:s29+$0x0];
	_ =	sdelay $0x1  }
0x23: {  	v19 =	vshll.u32 v19, $0x7  }
0x24: {  	v19 =	vor.u32 v0, v19  }
0x25: {  	v22 =	vadd.s32 s13, v19  }
0x26: {  	(xrf1) =	vsort.dscd.msk.f32 $0xffff, v21, v22;
	_ =	sdelay $0xa  }
0x27: {  	s30 =	simm.s32 $0x10010  }
0x28: {  	v21 =	vld [tilespmem:s30+$0x0];
	_ =	sdelay $0x1  }
0x29: {  	v22, v23, _ =	vpop (xrf1)  }
0x2a: {  	s31 =	simm.s32 $0x10;
	v22 =	vperm.xlane v22, v2  }
0x2b: {  	v24 =	vimm.f32 $-3.000000010e+38;
	v25 =	vadd.s32 s31, v19;
	v23 =	vperm.xlane v23, v2  }
0x2c: {  	(xrf1) =	vsort.dscd.msk.f32 $0xffff, v21, v25;
	vm1 =	vge.f32 v24, v22  }
0x2d: {  	v21 =	vsel vm1, v24, v22;
	v20 =	vsel vm1, v20, v23  }
0x2e: {  	(xrf1) =	vsort.dscd.msk.f32 $0xffff, v21, v20;
	_ =	sdelay $0x8  }
0x2f: {  	s17 =	simm.s32 $0x10020  }
0x30: {  	s19 =	simm.s32 $0x30;
	s18 =	simm.s32 $0x20;
	v20 =	vld [tilespmem:s17+$0x0]  }
.LBB2_5:
0x31: {  	p0 =	sne.s32 s19, $0x70  }
0x32: {  	v21, v22, _ =	vpop (xrf1)  }
0x33: {  	v21 =	vperm.xlane v21, v2  }
0x34: {  	v23 =	vadd.s32 s18, v19;
	s18 =	smov.u32 s19;
	v22 =	vperm.xlane v22, v2;
	v24, v25, _ =	vpop (xrf1)  }
0x35: {  	(xrf1) =	vsort.dscd.msk.f32 $0xffff, v20, v23;
	vm1 =	vge.f32 v24, v21  }
0x36: {  	v20 =	vsel vm1, v24, v21;
	v21 =	vsel vm1, v25, v22  }
0x37: {  	(xrf1) =	vsort.dscd.msk.f32 $0xffff, v20, v21;
	_ =	sdelay $0x5  }
.Ltmp1:
0x38: {  	(pc) =	sbr.rel @p0 .LBB2_5-.Ltmp1, $3  }
0x39: {  	_ =	sdelay $0x1  }
0x3a: {  	s17 =	sadd.s32 $0x10, s17  }
0x3b: {  	s19 =	sadd.s32 $0x10, s19;
	v20 =	vld [tilespmem:s17+$0x0]  }
0x3c: {  	_ = 	snop  }
0x3d: {  	v21, v22, _ =	vpop (xrf1)  }
0x3e: {  	v21 =	vperm.xlane v21, v2  }
0x3f: {  	v19 =	vadd.s32 s18, v19;
	v22 =	vperm.xlane v22, v2;
	v23, v24, _ =	vpop (xrf1)  }
0x40: {  	(xrf1) =	vsort.dscd.msk.f32 $0xffff, v20, v19;
	vm1 =	vge.f32 v23, v21  }
0x41: {  	v19 =	vsel vm1, v23, v21;
	v20 =	vsel vm1, v24, v22  }
0x42: {  	(xrf1) =	vsort.dscd.msk.f32 $0xffff, v19, v20;
	_ =	sdelay $0xb  }
0x43: {  	s17 =	simm.s32 $0x10080;
	v19, v20, _ =	vpop (xrf1)  }
0x44: {  	v21 =	vperm.xlane v18, v3;
	v22 =	vld [tilespmem:s17+$0x0];
	v19 =	vperm.xlane v19, v2  }
0x45: {  	v20 =	vperm.xlane v20, v2;
	v23, v62, _ =	vpop (xrf1)  }
0x46: {  	v21 =	vshll.u32 v21, $0x7;
	vm1 =	vge.f32 v23, v19  }
0x47: {  	s29 =	simm.s32 $0x0;
	v23 =	vsel vm1, v23, v19;
	v20 =	vsel vm1, v62, v20;
	v19 =	vor.u32 v0, v21  }
0x48: {  	(xrf1) =	vsort.dscd.msk.f32 $0xffff, v23, v20;
	v20 =	vadd.s32 s29, v19  }
0x49: {  	(xrf1) =	vsort.dscd.msk.f32 $0xffff, v22, v20;
	_ =	sdelay $0xa  }
0x4a: {  	s30 =	simm.s32 $0x10090  }
0x4b: {  	v22 =	vld [tilespmem:s30+$0x0]  }
0x4c: {  	v20, v21, _ =	vpop (xrf1)  }
0x4d: {  	v23, v63, _ =	vpop (xrf1)  }
0x4e: {  	s31 =	simm.s32 $0x10;
	v23 =	vperm.xlane v23, v2  }
0x4f: {  	v25 =	vadd.s32 s31, v19;
	v24 =	vperm.xlane v63, v2  }
0x50: {  	(xrf1) =	vsort.dscd.msk.f32 $0xffff, v22, v25;
	vm1 =	vge.f32 v20, v23  }
0x51: {  	v20 =	vsel vm1, v20, v23;
	v21 =	vsel vm1, v21, v24  }
0x52: {  	(xrf1) =	vsort.dscd.msk.f32 $0xffff, v20, v21;
	_ =	sdelay $0x8  }
0x53: {  	s17 =	simm.s32 $0x100A0  }
0x54: {  	s18 =	simm.s32 $0x20;
	s19 =	simm.s32 $0x30;
	v20 =	vld [tilespmem:s17+$0x0]  }
.LBB2_7:
0x55: {  	p0 =	sne.s32 s19, $0x70  }
0x56: {  	v21, v22, _ =	vpop (xrf1)  }
0x57: {  	v21 =	vperm.xlane v21, v2  }
0x58: {  	v23 =	vadd.s32 s18, v19;
	s18 =	smov.u32 s19;
	v22 =	vperm.xlane v22, v2;
	v24, v25, _ =	vpop (xrf1)  }
0x59: {  	(xrf1) =	vsort.dscd.msk.f32 $0xffff, v20, v23;
	vm1 =	vge.f32 v24, v21  }
0x5a: {  	v20 =	vsel vm1, v24, v21;
	v21 =	vsel vm1, v25, v22  }
0x5b: {  	(xrf1) =	vsort.dscd.msk.f32 $0xffff, v20, v21;
	_ =	sdelay $0x5  }
.Ltmp2:
0x5c: {  	(pc) =	sbr.rel @p0 .LBB2_7-.Ltmp2, $3  }
0x5d: {  	_ =	sdelay $0x1  }
0x5e: {  	s17 =	sadd.s32 $0x10, s17  }
0x5f: {  	s19 =	sadd.s32 $0x10, s19;
	v20 =	vld [tilespmem:s17+$0x0]  }
0x60: {  	_ = 	snop  }
0x61: {  	v21, v22, _ =	vpop (xrf1)  }
0x62: {  	v21 =	vperm.xlane v21, v2  }
0x63: {  	v19 =	vadd.s32 s18, v19;
	v22 =	vperm.xlane v22, v2;
	v23, v24, _ =	vpop (xrf1)  }
0x64: {  	(xrf1) =	vsort.dscd.msk.f32 $0xffff, v20, v19;
	vm1 =	vge.f32 v23, v21  }
0x65: {  	v19 =	vsel vm1, v23, v21;
	v20 =	vsel vm1, v24, v22  }
0x66: {  	(xrf1) =	vsort.dscd.msk.f32 $0xffff, v19, v20;
	_ =	sdelay $0xb  }
0x67: {  	s17 =	simm.s32 $0x10100;
	v19, v20, _ =	vpop (xrf1)  }
0x68: {  	v21 =	vperm.xlane v18, v4;
	v22 =	vld [tilespmem:s17+$0x0];
	v19 =	vperm.xlane v19, v2  }
0x69: {  	v20 =	vperm.xlane v20, v2;
	v23, v62, _ =	vpop (xrf1)  }
0x6a: {  	v21 =	vshll.u32 v21, $0x7;
	vm1 =	vge.f32 v23, v19  }
0x6b: {  	s29 =	simm.s32 $0x0;
	v23 =	vsel vm1, v23, v19;
	v20 =	vsel vm1, v62, v20;
	v19 =	vor.u32 v0, v21  }
0x6c: {  	(xrf1) =	vsort.dscd.msk.f32 $0xffff, v23, v20;
	v20 =	vadd.s32 s29, v19  }
0x6d: {  	(xrf1) =	vsort.dscd.msk.f32 $0xffff, v22, v20;
	_ =	sdelay $0xa  }
0x6e: {  	s30 =	simm.s32 $0x10110  }
0x6f: {  	v22 =	vld [tilespmem:s30+$0x0]  }
0x70: {  	v20, v21, _ =	vpop (xrf1)  }
0x71: {  	v23, v63, _ =	vpop (xrf1)  }
0x72: {  	s31 =	simm.s32 $0x10;
	v23 =	vperm.xlane v23, v2  }
0x73: {  	v25 =	vadd.s32 s31, v19;
	v24 =	vperm.xlane v63, v2  }
0x74: {  	(xrf1) =	vsort.dscd.msk.f32 $0xffff, v22, v25;
	vm1 =	vge.f32 v20, v23  }
0x75: {  	v20 =	vsel vm1, v20, v23;
	v21 =	vsel vm1, v21, v24  }
0x76: {  	(xrf1) =	vsort.dscd.msk.f32 $0xffff, v20, v21;
	_ =	sdelay $0x8  }
0x77: {  	s17 =	simm.s32 $0x10120  }
0x78: {  	s18 =	simm.s32 $0x20;
	s19 =	simm.s32 $0x30;
	v20 =	vld [tilespmem:s17+$0x0]  }
.LBB2_9:
0x79: {  	p0 =	sne.s32 s19, $0x70  }
0x7a: {  	v21, v22, _ =	vpop (xrf1)  }
0x7b: {  	v21 =	vperm.xlane v21, v2  }
0x7c: {  	v23 =	vadd.s32 s18, v19;
	s18 =	smov.u32 s19;
	v22 =	vperm.xlane v22, v2;
	v24, v25, _ =	vpop (xrf1)  }
0x7d: {  	(xrf1) =	vsort.dscd.msk.f32 $0xffff, v20, v23;
	vm1 =	vge.f32 v24, v21  }
0x7e: {  	v20 =	vsel vm1, v24, v21;
	v21 =	vsel vm1, v25, v22  }
0x7f: {  	(xrf1) =	vsort.dscd.msk.f32 $0xffff, v20, v21;
	_ =	sdelay $0x5  }
.Ltmp3:
0x80: {  	(pc) =	sbr.rel @p0 .LBB2_9-.Ltmp3, $3  }
0x81: {  	_ =	sdelay $0x1  }
0x82: {  	s17 =	sadd.s32 $0x10, s17  }
0x83: {  	s19 =	sadd.s32 $0x10, s19;
	v20 =	vld [tilespmem:s17+$0x0]  }
0x84: {  	_ = 	snop  }
0x85: {  	v21, v22, _ =	vpop (xrf1)  }
0x86: {  	v21 =	vperm.xlane v21, v2  }
0x87: {  	v19 =	vadd.s32 s18, v19;
	v22 =	vperm.xlane v22, v2;
	v23, v24, _ =	vpop (xrf1)  }
0x88: {  	(xrf1) =	vsort.dscd.msk.f32 $0xffff, v20, v19;
	vm1 =	vge.f32 v23, v21  }
0x89: {  	v19 =	vsel vm1, v23, v21;
	v20 =	vsel vm1, v24, v22  }
0x8a: {  	(xrf1) =	vsort.dscd.msk.f32 $0xffff, v19, v20;
	_ =	sdelay $0xb  }
0x8b: {  	s17 =	simm.s32 $0x10180;
	v19, v20, _ =	vpop (xrf1)  }
0x8c: {  	v21 =	vperm.xlane v18, v5;
	v22 =	vld [tilespmem:s17+$0x0];
	v19 =	vperm.xlane v19, v2  }
0x8d: {  	v20 =	vperm.xlane v20, v2;
	v23, v62, _ =	vpop (xrf1)  }
0x8e: {  	v21 =	vshll.u32 v21, $0x7;
	vm1 =	vge.f32 v23, v19  }
0x8f: {  	s29 =	simm.s32 $0x0;
	v23 =	vsel vm1, v23, v19;
	v20 =	vsel vm1, v62, v20;
	v19 =	vor.u32 v0, v21  }
0x90: {  	(xrf1) =	vsort.dscd.msk.f32 $0xffff, v23, v20;
	v20 =	vadd.s32 s29, v19  }
0x91: {  	(xrf1) =	vsort.dscd.msk.f32 $0xffff, v22, v20;
	_ =	sdelay $0xa  }
0x92: {  	s30 =	simm.s32 $0x10190  }
0x93: {  	v22 =	vld [tilespmem:s30+$0x0]  }
0x94: {  	v20, v21, _ =	vpop (xrf1)  }
0x95: {  	v23, v63, _ =	vpop (xrf1)  }
0x96: {  	s31 =	simm.s32 $0x10;
	v23 =	vperm.xlane v23, v2  }
0x97: {  	v25 =	vadd.s32 s31, v19;
	v24 =	vperm.xlane v63, v2  }
0x98: {  	(xrf1) =	vsort.dscd.msk.f32 $0xffff, v22, v25;
	vm1 =	vge.f32 v20, v23  }
0x99: {  	v20 =	vsel vm1, v20, v23;
	v21 =	vsel vm1, v21, v24  }
0x9a: {  	(xrf1) =	vsort.dscd.msk.f32 $0xffff, v20, v21;
	_ =	sdelay $0x8  }
0x9b: {  	s17 =	simm.s32 $0x101A0  }
0x9c: {  	s18 =	simm.s32 $0x20;
	s19 =	simm.s32 $0x30;
	v20 =	vld [tilespmem:s17+$0x0]  }
.LBB2_11:
0x9d: {  	p0 =	sne.s32 s19, $0x70  }
0x9e: {  	v21, v22, _ =	vpop (xrf1)  }
0x9f: {  	v21 =	vperm.xlane v21, v2  }
0xa0: {  	v23 =	vadd.s32 s18, v19;
	s18 =	smov.u32 s19;
	v22 =	vperm.xlane v22, v2;
	v24, v25, _ =	vpop (xrf1)  }
0xa1: {  	(xrf1) =	vsort.dscd.msk.f32 $0xffff, v20, v23;
	vm1 =	vge.f32 v24, v21  }
0xa2: {  	v20 =	vsel vm1, v24, v21;
	v21 =	vsel vm1, v25, v22  }
0xa3: {  	(xrf1) =	vsort.dscd.msk.f32 $0xffff, v20, v21;
	_ =	sdelay $0x5  }
.Ltmp4:
0xa4: {  	(pc) =	sbr.rel @p0 .LBB2_11-.Ltmp4, $3  }
0xa5: {  	_ =	sdelay $0x1  }
0xa6: {  	s17 =	sadd.s32 $0x10, s17  }
0xa7: {  	s19 =	sadd.s32 $0x10, s19;
	v20 =	vld [tilespmem:s17+$0x0]  }
0xa8: {  	_ = 	snop  }
0xa9: {  	v21, v22, _ =	vpop (xrf1)  }
0xaa: {  	v21 =	vperm.xlane v21, v2  }
0xab: {  	v19 =	vadd.s32 s18, v19;
	v22 =	vperm.xlane v22, v2;
	v23, v24, _ =	vpop (xrf1)  }
0xac: {  	(xrf1) =	vsort.dscd.msk.f32 $0xffff, v20, v19;
	vm1 =	vge.f32 v23, v21  }
0xad: {  	v19 =	vsel vm1, v23, v21;
	v20 =	vsel vm1, v24, v22  }
0xae: {  	(xrf1) =	vsort.dscd.msk.f32 $0xffff, v19, v20;
	_ =	sdelay $0xb  }
0xaf: {  	s17 =	simm.s32 $0x10200;
	v19, v20, _ =	vpop (xrf1)  }
0xb0: {  	v21 =	vperm.xlane v18, v6;
	v22 =	vld [tilespmem:s17+$0x0];
	v19 =	vperm.xlane v19, v2  }
0xb1: {  	v20 =	vperm.xlane v20, v2;
	v23, v62, _ =	vpop (xrf1)  }
0xb2: {  	v21 =	vshll.u32 v21, $0x7;
	vm1 =	vge.f32 v23, v19  }
0xb3: {  	s29 =	simm.s32 $0x0;
	v23 =	vsel vm1, v23, v19;
	v20 =	vsel vm1, v62, v20;
	v19 =	vor.u32 v0, v21  }
0xb4: {  	(xrf1) =	vsort.dscd.msk.f32 $0xffff, v23, v20;
	v20 =	vadd.s32 s29, v19  }
0xb5: {  	(xrf1) =	vsort.dscd.msk.f32 $0xffff, v22, v20;
	_ =	sdelay $0xa  }
0xb6: {  	s30 =	simm.s32 $0x10210  }
0xb7: {  	v22 =	vld [tilespmem:s30+$0x0]  }
0xb8: {  	v20, v21, _ =	vpop (xrf1)  }
0xb9: {  	v23, v63, _ =	vpop (xrf1)  }
0xba: {  	s31 =	simm.s32 $0x10;
	v23 =	vperm.xlane v23, v2  }
0xbb: {  	v25 =	vadd.s32 s31, v19;
	v24 =	vperm.xlane v63, v2  }
0xbc: {  	(xrf1) =	vsort.dscd.msk.f32 $0xffff, v22, v25;
	vm1 =	vge.f32 v20, v23  }
0xbd: {  	v20 =	vsel vm1, v20, v23;
	v21 =	vsel vm1, v21, v24  }
0xbe: {  	(xrf1) =	vsort.dscd.msk.f32 $0xffff, v20, v21;
	_ =	sdelay $0x8  }
0xbf: {  	s17 =	simm.s32 $0x10220  }
0xc0: {  	s18 =	simm.s32 $0x20;
	s19 =	simm.s32 $0x30;
	v20 =	vld [tilespmem:s17+$0x0]  }
.LBB2_13:
0xc1: {  	p0 =	sne.s32 s19, $0x70  }
0xc2: {  	v21, v22, _ =	vpop (xrf1)  }
0xc3: {  	v21 =	vperm.xlane v21, v2  }
0xc4: {  	v23 =	vadd.s32 s18, v19;
	s18 =	smov.u32 s19;
	v22 =	vperm.xlane v22, v2;
	v24, v25, _ =	vpop (xrf1)  }
0xc5: {  	(xrf1) =	vsort.dscd.msk.f32 $0xffff, v20, v23;
	vm1 =	vge.f32 v24, v21  }
0xc6: {  	v20 =	vsel vm1, v24, v21;
	v21 =	vsel vm1, v25, v22  }
0xc7: {  	(xrf1) =	vsort.dscd.msk.f32 $0xffff, v20, v21;
	_ =	sdelay $0x5  }
.Ltmp5:
0xc8: {  	(pc) =	sbr.rel @p0 .LBB2_13-.Ltmp5, $3  }
0xc9: {  	_ =	sdelay $0x1  }
0xca: {  	s17 =	sadd.s32 $0x10, s17  }
0xcb: {  	s19 =	sadd.s32 $0x10, s19;
	v20 =	vld [tilespmem:s17+$0x0]  }
0xcc: {  	_ = 	snop  }
0xcd: {  	v21, v22, _ =	vpop (xrf1)  }
0xce: {  	v21 =	vperm.xlane v21, v2  }
0xcf: {  	v19 =	vadd.s32 s18, v19;
	v22 =	vperm.xlane v22, v2;
	v23, v24, _ =	vpop (xrf1)  }
0xd0: {  	(xrf1) =	vsort.dscd.msk.f32 $0xffff, v20, v19;
	vm1 =	vge.f32 v23, v21  }
0xd1: {  	v19 =	vsel vm1, v23, v21;
	v20 =	vsel vm1, v24, v22  }
0xd2: {  	(xrf1) =	vsort.dscd.msk.f32 $0xffff, v19, v20;
	_ =	sdelay $0xb  }
0xd3: {  	s17 =	simm.s32 $0x10280;
	v19, v20, _ =	vpop (xrf1)  }
0xd4: {  	v21 =	vperm.xlane v18, v7;
	v22 =	vld [tilespmem:s17+$0x0];
	v19 =	vperm.xlane v19, v2  }
0xd5: {  	v20 =	vperm.xlane v20, v2;
	v23, v62, _ =	vpop (xrf1)  }
0xd6: {  	v21 =	vshll.u32 v21, $0x7;
	vm1 =	vge.f32 v23, v19  }
0xd7: {  	s29 =	simm.s32 $0x0;
	v23 =	vsel vm1, v23, v19;
	v20 =	vsel vm1, v62, v20;
	v19 =	vor.u32 v0, v21  }
0xd8: {  	(xrf1) =	vsort.dscd.msk.f32 $0xffff, v23, v20;
	v20 =	vadd.s32 s29, v19  }
0xd9: {  	(xrf1) =	vsort.dscd.msk.f32 $0xffff, v22, v20;
	_ =	sdelay $0xa  }
0xda: {  	s30 =	simm.s32 $0x10290  }
0xdb: {  	v22 =	vld [tilespmem:s30+$0x0]  }
0xdc: {  	v20, v21, _ =	vpop (xrf1)  }
0xdd: {  	v23, v63, _ =	vpop (xrf1)  }
0xde: {  	s31 =	simm.s32 $0x10;
	v23 =	vperm.xlane v23, v2  }
0xdf: {  	v25 =	vadd.s32 s31, v19;
	v24 =	vperm.xlane v63, v2  }
0xe0: {  	(xrf1) =	vsort.dscd.msk.f32 $0xffff, v22, v25;
	vm1 =	vge.f32 v20, v23  }
0xe1: {  	v20 =	vsel vm1, v20, v23;
	v21 =	vsel vm1, v21, v24  }
0xe2: {  	(xrf1) =	vsort.dscd.msk.f32 $0xffff, v20, v21;
	_ =	sdelay $0x8  }
0xe3: {  	s17 =	simm.s32 $0x102A0  }
0xe4: {  	s18 =	simm.s32 $0x20;
	s19 =	simm.s32 $0x30;
	v20 =	vld [tilespmem:s17+$0x0]  }
.LBB2_15:
0xe5: {  	p0 =	sne.s32 s19, $0x70  }
0xe6: {  	v21, v22, _ =	vpop (xrf1)  }
0xe7: {  	v21 =	vperm.xlane v21, v2  }
0xe8: {  	v23 =	vadd.s32 s18, v19;
	s18 =	smov.u32 s19;
	v22 =	vperm.xlane v22, v2;
	v24, v25, _ =	vpop (xrf1)  }
0xe9: {  	(xrf1) =	vsort.dscd.msk.f32 $0xffff, v20, v23;
	vm1 =	vge.f32 v24, v21  }
0xea: {  	v20 =	vsel vm1, v24, v21;
	v21 =	vsel vm1, v25, v22  }
0xeb: {  	(xrf1) =	vsort.dscd.msk.f32 $0xffff, v20, v21;
	_ =	sdelay $0x5  }
.Ltmp6:
0xec: {  	(pc) =	sbr.rel @p0 .LBB2_15-.Ltmp6, $3  }
0xed: {  	_ =	sdelay $0x1  }
0xee: {  	s17 =	sadd.s32 $0x10, s17  }
0xef: {  	s19 =	sadd.s32 $0x10, s19;
	v20 =	vld [tilespmem:s17+$0x0]  }
0xf0: {  	_ = 	snop  }
0xf1: {  	v21, v22, _ =	vpop (xrf1)  }
0xf2: {  	v21 =	vperm.xlane v21, v2  }
0xf3: {  	v19 =	vadd.s32 s18, v19;
	v22 =	vperm.xlane v22, v2;
	v23, v24, _ =	vpop (xrf1)  }
0xf4: {  	(xrf1) =	vsort.dscd.msk.f32 $0xffff, v20, v19;
	vm1 =	vge.f32 v23, v21  }
0xf5: {  	v19 =	vsel vm1, v23, v21;
	v20 =	vsel vm1, v24, v22  }
0xf6: {  	(xrf1) =	vsort.dscd.msk.f32 $0xffff, v19, v20;
	_ =	sdelay $0xb  }
0xf7: {  	s17 =	simm.s32 $0x10300;
	v19, v20, _ =	vpop (xrf1)  }
0xf8: {  	v21 =	vperm.xlane v18, v8;
	v22 =	vld [tilespmem:s17+$0x0];
	v19 =	vperm.xlane v19, v2  }
0xf9: {  	v20 =	vperm.xlane v20, v2;
	v23, v62, _ =	vpop (xrf1)  }
0xfa: {  	v21 =	vshll.u32 v21, $0x7;
	vm1 =	vge.f32 v23, v19  }
0xfb: {  	s29 =	simm.s32 $0x0;
	v23 =	vsel vm1, v23, v19;
	v20 =	vsel vm1, v62, v20;
	v19 =	vor.u32 v0, v21  }
0xfc: {  	(xrf1) =	vsort.dscd.msk.f32 $0xffff, v23, v20;
	v20 =	vadd.s32 s29, v19  }
0xfd: {  	(xrf1) =	vsort.dscd.msk.f32 $0xffff, v22, v20;
	_ =	sdelay $0xa  }
0xfe: {  	s30 =	simm.s32 $0x10310  }
0xff: {  	v22 =	vld [tilespmem:s30+$0x0]  }
0x100: {  	v20, v21, _ =	vpop (xrf1)  }
0x101: {  	v23, v63, _ =	vpop (xrf1)  }
0x102: {  	s31 =	simm.s32 $0x10;
	v23 =	vperm.xlane v23, v2  }
0x103: {  	v25 =	vadd.s32 s31, v19;
	v24 =	vperm.xlane v63, v2  }
0x104: {  	(xrf1) =	vsort.dscd.msk.f32 $0xffff, v22, v25;
	vm1 =	vge.f32 v20, v23  }
0x105: {  	v20 =	vsel vm1, v20, v23;
	v21 =	vsel vm1, v21, v24  }
0x106: {  	(xrf1) =	vsort.dscd.msk.f32 $0xffff, v20, v21;
	_ =	sdelay $0x8  }
0x107: {  	s17 =	simm.s32 $0x10320  }
0x108: {  	s18 =	simm.s32 $0x20;
	s19 =	simm.s32 $0x30;
	v20 =	vld [tilespmem:s17+$0x0]  }
.LBB2_17:
0x109: {  	p0 =	sne.s32 s19, $0x70  }
0x10a: {  	v21, v22, _ =	vpop (xrf1)  }
0x10b: {  	v21 =	vperm.xlane v21, v2  }
0x10c: {  	v23 =	vadd.s32 s18, v19;
	s18 =	smov.u32 s19;
	v22 =	vperm.xlane v22, v2;
	v24, v25, _ =	vpop (xrf1)  }
0x10d: {  	(xrf1) =	vsort.dscd.msk.f32 $0xffff, v20, v23;
	vm1 =	vge.f32 v24, v21  }
0x10e: {  	v20 =	vsel vm1, v24, v21;
	v21 =	vsel vm1, v25, v22  }
0x10f: {  	(xrf1) =	vsort.dscd.msk.f32 $0xffff, v20, v21;
	_ =	sdelay $0x5  }
.Ltmp7:
0x110: {  	(pc) =	sbr.rel @p0 .LBB2_17-.Ltmp7, $3  }
0x111: {  	_ =	sdelay $0x1  }
0x112: {  	s17 =	sadd.s32 $0x10, s17  }
0x113: {  	s19 =	sadd.s32 $0x10, s19;
	v20 =	vld [tilespmem:s17+$0x0]  }
0x114: {  	_ = 	snop  }
0x115: {  	v21, v22, _ =	vpop (xrf1)  }
0x116: {  	v21 =	vperm.xlane v21, v2  }
0x117: {  	v19 =	vadd.s32 s18, v19;
	v22 =	vperm.xlane v22, v2;
	v23, v24, _ =	vpop (xrf1)  }
0x118: {  	(xrf1) =	vsort.dscd.msk.f32 $0xffff, v20, v19;
	vm1 =	vge.f32 v23, v21  }
0x119: {  	v19 =	vsel vm1, v23, v21;
	v20 =	vsel vm1, v24, v22  }
0x11a: {  	(xrf1) =	vsort.dscd.msk.f32 $0xffff, v19, v20;
	_ =	sdelay $0xb  }
0x11b: {  	s17 =	simm.s32 $0x10380;
	v19, v20, _ =	vpop (xrf1)  }
0x11c: {  	v21 =	vperm.xlane v18, v9;
	v22 =	vld [tilespmem:s17+$0x0];
	v19 =	vperm.xlane v19, v2  }
0x11d: {  	v20 =	vperm.xlane v20, v2;
	v23, v62, _ =	vpop (xrf1)  }
0x11e: {  	v21 =	vshll.u32 v21, $0x7;
	vm1 =	vge.f32 v23, v19  }
0x11f: {  	s29 =	simm.s32 $0x0;
	v23 =	vsel vm1, v23, v19;
	v20 =	vsel vm1, v62, v20;
	v19 =	vor.u32 v0, v21  }
0x120: {  	(xrf1) =	vsort.dscd.msk.f32 $0xffff, v23, v20;
	v20 =	vadd.s32 s29, v19  }
0x121: {  	(xrf1) =	vsort.dscd.msk.f32 $0xffff, v22, v20;
	_ =	sdelay $0xa  }
0x122: {  	s30 =	simm.s32 $0x10390  }
0x123: {  	v22 =	vld [tilespmem:s30+$0x0]  }
0x124: {  	v20, v21, _ =	vpop (xrf1)  }
0x125: {  	v23, v63, _ =	vpop (xrf1)  }
0x126: {  	s31 =	simm.s32 $0x10;
	v23 =	vperm.xlane v23, v2  }
0x127: {  	v25 =	vadd.s32 s31, v19;
	v24 =	vperm.xlane v63, v2  }
0x128: {  	(xrf1) =	vsort.dscd.msk.f32 $0xffff, v22, v25;
	vm1 =	vge.f32 v20, v23  }
0x129: {  	v20 =	vsel vm1, v20, v23;
	v21 =	vsel vm1, v21, v24  }
0x12a: {  	(xrf1) =	vsort.dscd.msk.f32 $0xffff, v20, v21;
	_ =	sdelay $0x8  }
0x12b: {  	s17 =	simm.s32 $0x103A0  }
0x12c: {  	s18 =	simm.s32 $0x20;
	s19 =	simm.s32 $0x30;
	v20 =	vld [tilespmem:s17+$0x0]  }
.LBB2_19:
0x12d: {  	p0 =	sne.s32 s19, $0x70  }
0x12e: {  	v21, v22, _ =	vpop (xrf1)  }
0x12f: {  	v21 =	vperm.xlane v21, v2  }
0x130: {  	v23 =	vadd.s32 s18, v19;
	s18 =	smov.u32 s19;
	v22 =	vperm.xlane v22, v2;
	v24, v25, _ =	vpop (xrf1)  }
0x131: {  	(xrf1) =	vsort.dscd.msk.f32 $0xffff, v20, v23;
	vm1 =	vge.f32 v24, v21  }
0x132: {  	v20 =	vsel vm1, v24, v21;
	v21 =	vsel vm1, v25, v22  }
0x133: {  	(xrf1) =	vsort.dscd.msk.f32 $0xffff, v20, v21;
	_ =	sdelay $0x5  }
.Ltmp8:
0x134: {  	(pc) =	sbr.rel @p0 .LBB2_19-.Ltmp8, $3  }
0x135: {  	_ =	sdelay $0x1  }
0x136: {  	s17 =	sadd.s32 $0x10, s17  }
0x137: {  	s19 =	sadd.s32 $0x10, s19;
	v20 =	vld [tilespmem:s17+$0x0]  }
0x138: {  	_ = 	snop  }
0x139: {  	v21, v22, _ =	vpop (xrf1)  }
0x13a: {  	v21 =	vperm.xlane v21, v2  }
0x13b: {  	v19 =	vadd.s32 s18, v19;
	v22 =	vperm.xlane v22, v2;
	v23, v24, _ =	vpop (xrf1)  }
0x13c: {  	(xrf1) =	vsort.dscd.msk.f32 $0xffff, v20, v19;
	vm1 =	vge.f32 v23, v21  }
0x13d: {  	v19 =	vsel vm1, v23, v21;
	v20 =	vsel vm1, v24, v22  }
0x13e: {  	(xrf1) =	vsort.dscd.msk.f32 $0xffff, v19, v20;
	_ =	sdelay $0xb  }
0x13f: {  	s17 =	simm.s32 $0x10400;
	v19, v20, _ =	vpop (xrf1)  }
0x140: {  	v21 =	vperm.xlane v18, v10;
	v22 =	vld [tilespmem:s17+$0x0];
	v19 =	vperm.xlane v19, v2  }
0x141: {  	v20 =	vperm.xlane v20, v2;
	v23, v62, _ =	vpop (xrf1)  }
0x142: {  	v21 =	vshll.u32 v21, $0x7;
	vm1 =	vge.f32 v23, v19  }
0x143: {  	s29 =	simm.s32 $0x0;
	v23 =	vsel vm1, v23, v19;
	v20 =	vsel vm1, v62, v20;
	v19 =	vor.u32 v0, v21  }
0x144: {  	(xrf1) =	vsort.dscd.msk.f32 $0xffff, v23, v20;
	v20 =	vadd.s32 s29, v19  }
0x145: {  	(xrf1) =	vsort.dscd.msk.f32 $0xffff, v22, v20;
	_ =	sdelay $0xa  }
0x146: {  	s30 =	simm.s32 $0x10410  }
0x147: {  	v22 =	vld [tilespmem:s30+$0x0]  }
0x148: {  	v20, v21, _ =	vpop (xrf1)  }
0x149: {  	v23, v63, _ =	vpop (xrf1)  }
0x14a: {  	s31 =	simm.s32 $0x10;
	v23 =	vperm.xlane v23, v2  }
0x14b: {  	v25 =	vadd.s32 s31, v19;
	v24 =	vperm.xlane v63, v2  }
0x14c: {  	(xrf1) =	vsort.dscd.msk.f32 $0xffff, v22, v25;
	vm1 =	vge.f32 v20, v23  }
0x14d: {  	v20 =	vsel vm1, v20, v23;
	v21 =	vsel vm1, v21, v24  }
0x14e: {  	(xrf1) =	vsort.dscd.msk.f32 $0xffff, v20, v21;
	_ =	sdelay $0x8  }
0x14f: {  	s17 =	simm.s32 $0x10420  }
0x150: {  	s18 =	simm.s32 $0x20;
	s19 =	simm.s32 $0x30;
	v20 =	vld [tilespmem:s17+$0x0]  }
.LBB2_21:
0x151: {  	p0 =	sne.s32 s19, $0x70  }
0x152: {  	v21, v22, _ =	vpop (xrf1)  }
0x153: {  	v21 =	vperm.xlane v21, v2  }
0x154: {  	v23 =	vadd.s32 s18, v19;
	s18 =	smov.u32 s19;
	v22 =	vperm.xlane v22, v2;
	v24, v25, _ =	vpop (xrf1)  }
0x155: {  	(xrf1) =	vsort.dscd.msk.f32 $0xffff, v20, v23;
	vm1 =	vge.f32 v24, v21  }
0x156: {  	v20 =	vsel vm1, v24, v21;
	v21 =	vsel vm1, v25, v22  }
0x157: {  	(xrf1) =	vsort.dscd.msk.f32 $0xffff, v20, v21;
	_ =	sdelay $0x5  }
.Ltmp9:
0x158: {  	(pc) =	sbr.rel @p0 .LBB2_21-.Ltmp9, $3  }
0x159: {  	_ =	sdelay $0x1  }
0x15a: {  	s17 =	sadd.s32 $0x10, s17  }
0x15b: {  	s19 =	sadd.s32 $0x10, s19;
	v20 =	vld [tilespmem:s17+$0x0]  }
0x15c: {  	_ = 	snop  }
0x15d: {  	v21, v22, _ =	vpop (xrf1)  }
0x15e: {  	v21 =	vperm.xlane v21, v2  }
0x15f: {  	v19 =	vadd.s32 s18, v19;
	v22 =	vperm.xlane v22, v2;
	v23, v24, _ =	vpop (xrf1)  }
0x160: {  	(xrf1) =	vsort.dscd.msk.f32 $0xffff, v20, v19;
	vm1 =	vge.f32 v23, v21  }
0x161: {  	v19 =	vsel vm1, v23, v21;
	v20 =	vsel vm1, v24, v22  }
0x162: {  	(xrf1) =	vsort.dscd.msk.f32 $0xffff, v19, v20;
	_ =	sdelay $0xb  }
0x163: {  	s17 =	simm.s32 $0x10480;
	v19, v20, _ =	vpop (xrf1)  }
0x164: {  	v21 =	vperm.xlane v18, v11;
	v22 =	vld [tilespmem:s17+$0x0];
	v19 =	vperm.xlane v19, v2  }
0x165: {  	v20 =	vperm.xlane v20, v2;
	v23, v62, _ =	vpop (xrf1)  }
0x166: {  	v21 =	vshll.u32 v21, $0x7;
	vm1 =	vge.f32 v23, v19  }
0x167: {  	s29 =	simm.s32 $0x0;
	v23 =	vsel vm1, v23, v19;
	v20 =	vsel vm1, v62, v20;
	v19 =	vor.u32 v0, v21  }
0x168: {  	(xrf1) =	vsort.dscd.msk.f32 $0xffff, v23, v20;
	v20 =	vadd.s32 s29, v19  }
0x169: {  	(xrf1) =	vsort.dscd.msk.f32 $0xffff, v22, v20;
	_ =	sdelay $0xa  }
0x16a: {  	s30 =	simm.s32 $0x10490  }
0x16b: {  	v22 =	vld [tilespmem:s30+$0x0]  }
0x16c: {  	v20, v21, _ =	vpop (xrf1)  }
0x16d: {  	v23, v63, _ =	vpop (xrf1)  }
0x16e: {  	s31 =	simm.s32 $0x10;
	v23 =	vperm.xlane v23, v2  }
0x16f: {  	v25 =	vadd.s32 s31, v19;
	v24 =	vperm.xlane v63, v2  }
0x170: {  	(xrf1) =	vsort.dscd.msk.f32 $0xffff, v22, v25;
	vm1 =	vge.f32 v20, v23  }
0x171: {  	v20 =	vsel vm1, v20, v23;
	v21 =	vsel vm1, v21, v24  }
0x172: {  	(xrf1) =	vsort.dscd.msk.f32 $0xffff, v20, v21;
	_ =	sdelay $0x8  }
0x173: {  	s17 =	simm.s32 $0x104A0  }
0x174: {  	s18 =	simm.s32 $0x20;
	s19 =	simm.s32 $0x30;
	v20 =	vld [tilespmem:s17+$0x0]  }
.LBB2_23:
0x175: {  	p0 =	sne.s32 s19, $0x70  }
0x176: {  	v21, v22, _ =	vpop (xrf1)  }
0x177: {  	v21 =	vperm.xlane v21, v2  }
0x178: {  	v23 =	vadd.s32 s18, v19;
	s18 =	smov.u32 s19;
	v22 =	vperm.xlane v22, v2;
	v24, v25, _ =	vpop (xrf1)  }
0x179: {  	(xrf1) =	vsort.dscd.msk.f32 $0xffff, v20, v23;
	vm1 =	vge.f32 v24, v21  }
0x17a: {  	v20 =	vsel vm1, v24, v21;
	v21 =	vsel vm1, v25, v22  }
0x17b: {  	(xrf1) =	vsort.dscd.msk.f32 $0xffff, v20, v21;
	_ =	sdelay $0x5  }
.Ltmp10:
0x17c: {  	(pc) =	sbr.rel @p0 .LBB2_23-.Ltmp10, $3  }
0x17d: {  	_ =	sdelay $0x1  }
0x17e: {  	s17 =	sadd.s32 $0x10, s17  }
0x17f: {  	s19 =	sadd.s32 $0x10, s19;
	v20 =	vld [tilespmem:s17+$0x0]  }
0x180: {  	_ = 	snop  }
0x181: {  	v21, v22, _ =	vpop (xrf1)  }
0x182: {  	v21 =	vperm.xlane v21, v2  }
0x183: {  	v19 =	vadd.s32 s18, v19;
	v22 =	vperm.xlane v22, v2;
	v23, v24, _ =	vpop (xrf1)  }
0x184: {  	(xrf1) =	vsort.dscd.msk.f32 $0xffff, v20, v19;
	vm1 =	vge.f32 v23, v21  }
0x185: {  	v19 =	vsel vm1, v23, v21;
	v20 =	vsel vm1, v24, v22  }
0x186: {  	(xrf1) =	vsort.dscd.msk.f32 $0xffff, v19, v20;
	_ =	sdelay $0xb  }
0x187: {  	s17 =	simm.s32 $0x10500;
	v19, v20, _ =	vpop (xrf1)  }
0x188: {  	v21 =	vperm.xlane v18, v12;
	v22 =	vld [tilespmem:s17+$0x0];
	v19 =	vperm.xlane v19, v2  }
0x189: {  	v20 =	vperm.xlane v20, v2;
	v23, v62, _ =	vpop (xrf1)  }
0x18a: {  	v21 =	vshll.u32 v21, $0x7;
	vm1 =	vge.f32 v23, v19  }
0x18b: {  	s29 =	simm.s32 $0x0;
	v23 =	vsel vm1, v23, v19;
	v20 =	vsel vm1, v62, v20;
	v19 =	vor.u32 v0, v21  }
0x18c: {  	(xrf1) =	vsort.dscd.msk.f32 $0xffff, v23, v20;
	v20 =	vadd.s32 s29, v19  }
0x18d: {  	(xrf1) =	vsort.dscd.msk.f32 $0xffff, v22, v20;
	_ =	sdelay $0xa  }
0x18e: {  	s30 =	simm.s32 $0x10510  }
0x18f: {  	v22 =	vld [tilespmem:s30+$0x0]  }
0x190: {  	v20, v21, _ =	vpop (xrf1)  }
0x191: {  	v23, v63, _ =	vpop (xrf1)  }
0x192: {  	s31 =	simm.s32 $0x10;
	v23 =	vperm.xlane v23, v2  }
0x193: {  	v25 =	vadd.s32 s31, v19;
	v24 =	vperm.xlane v63, v2  }
0x194: {  	(xrf1) =	vsort.dscd.msk.f32 $0xffff, v22, v25;
	vm1 =	vge.f32 v20, v23  }
0x195: {  	v20 =	vsel vm1, v20, v23;
	v21 =	vsel vm1, v21, v24  }
0x196: {  	(xrf1) =	vsort.dscd.msk.f32 $0xffff, v20, v21;
	_ =	sdelay $0x8  }
0x197: {  	s17 =	simm.s32 $0x10520  }
0x198: {  	s18 =	simm.s32 $0x20;
	s19 =	simm.s32 $0x30;
	v20 =	vld [tilespmem:s17+$0x0]  }
.LBB2_25:
0x199: {  	p0 =	sne.s32 s19, $0x70  }
0x19a: {  	v21, v22, _ =	vpop (xrf1)  }
0x19b: {  	v21 =	vperm.xlane v21, v2  }
0x19c: {  	v23 =	vadd.s32 s18, v19;
	s18 =	smov.u32 s19;
	v22 =	vperm.xlane v22, v2;
	v24, v25, _ =	vpop (xrf1)  }
0x19d: {  	(xrf1) =	vsort.dscd.msk.f32 $0xffff, v20, v23;
	vm1 =	vge.f32 v24, v21  }
0x19e: {  	v20 =	vsel vm1, v24, v21;
	v21 =	vsel vm1, v25, v22  }
0x19f: {  	(xrf1) =	vsort.dscd.msk.f32 $0xffff, v20, v21;
	_ =	sdelay $0x5  }
.Ltmp11:
0x1a0: {  	(pc) =	sbr.rel @p0 .LBB2_25-.Ltmp11, $3  }
0x1a1: {  	_ =	sdelay $0x1  }
0x1a2: {  	s17 =	sadd.s32 $0x10, s17  }
0x1a3: {  	s19 =	sadd.s32 $0x10, s19;
	v20 =	vld [tilespmem:s17+$0x0]  }
0x1a4: {  	_ = 	snop  }
0x1a5: {  	v21, v22, _ =	vpop (xrf1)  }
0x1a6: {  	v21 =	vperm.xlane v21, v2  }
0x1a7: {  	v19 =	vadd.s32 s18, v19;
	v22 =	vperm.xlane v22, v2;
	v23, v24, _ =	vpop (xrf1)  }
0x1a8: {  	(xrf1) =	vsort.dscd.msk.f32 $0xffff, v20, v19;
	vm1 =	vge.f32 v23, v21  }
0x1a9: {  	v19 =	vsel vm1, v23, v21;
	v20 =	vsel vm1, v24, v22  }
0x1aa: {  	(xrf1) =	vsort.dscd.msk.f32 $0xffff, v19, v20;
	_ =	sdelay $0xb  }
0x1ab: {  	s17 =	simm.s32 $0x10580;
	v19, v20, _ =	vpop (xrf1)  }
0x1ac: {  	v21 =	vperm.xlane v18, v13;
	v22 =	vld [tilespmem:s17+$0x0];
	v19 =	vperm.xlane v19, v2  }
0x1ad: {  	v20 =	vperm.xlane v20, v2;
	v23, v62, _ =	vpop (xrf1)  }
0x1ae: {  	v21 =	vshll.u32 v21, $0x7;
	vm1 =	vge.f32 v23, v19  }
0x1af: {  	s29 =	simm.s32 $0x0;
	v23 =	vsel vm1, v23, v19;
	v20 =	vsel vm1, v62, v20;
	v19 =	vor.u32 v0, v21  }
0x1b0: {  	(xrf1) =	vsort.dscd.msk.f32 $0xffff, v23, v20;
	v20 =	vadd.s32 s29, v19  }
0x1b1: {  	(xrf1) =	vsort.dscd.msk.f32 $0xffff, v22, v20;
	_ =	sdelay $0xa  }
0x1b2: {  	s30 =	simm.s32 $0x10590  }
0x1b3: {  	v22 =	vld [tilespmem:s30+$0x0]  }
0x1b4: {  	v20, v21, _ =	vpop (xrf1)  }
0x1b5: {  	v23, v63, _ =	vpop (xrf1)  }
0x1b6: {  	s31 =	simm.s32 $0x10;
	v23 =	vperm.xlane v23, v2  }
0x1b7: {  	v25 =	vadd.s32 s31, v19;
	v24 =	vperm.xlane v63, v2  }
0x1b8: {  	(xrf1) =	vsort.dscd.msk.f32 $0xffff, v22, v25;
	vm1 =	vge.f32 v20, v23  }
0x1b9: {  	v20 =	vsel vm1, v20, v23;
	v21 =	vsel vm1, v21, v24  }
0x1ba: {  	(xrf1) =	vsort.dscd.msk.f32 $0xffff, v20, v21;
	_ =	sdelay $0x8  }
0x1bb: {  	s17 =	simm.s32 $0x105A0  }
0x1bc: {  	s18 =	simm.s32 $0x20;
	s19 =	simm.s32 $0x30;
	v20 =	vld [tilespmem:s17+$0x0]  }
.LBB2_27:
0x1bd: {  	p0 =	sne.s32 s19, $0x70  }
0x1be: {  	v21, v22, _ =	vpop (xrf1)  }
0x1bf: {  	v21 =	vperm.xlane v21, v2  }
0x1c0: {  	v23 =	vadd.s32 s18, v19;
	s18 =	smov.u32 s19;
	v22 =	vperm.xlane v22, v2;
	v24, v25, _ =	vpop (xrf1)  }
0x1c1: {  	(xrf1) =	vsort.dscd.msk.f32 $0xffff, v20, v23;
	vm1 =	vge.f32 v24, v21  }
0x1c2: {  	v20 =	vsel vm1, v24, v21;
	v21 =	vsel vm1, v25, v22  }
0x1c3: {  	(xrf1) =	vsort.dscd.msk.f32 $0xffff, v20, v21;
	_ =	sdelay $0x5  }
.Ltmp12:
0x1c4: {  	(pc) =	sbr.rel @p0 .LBB2_27-.Ltmp12, $3  }
0x1c5: {  	_ =	sdelay $0x1  }
0x1c6: {  	s17 =	sadd.s32 $0x10, s17  }
0x1c7: {  	s19 =	sadd.s32 $0x10, s19;
	v20 =	vld [tilespmem:s17+$0x0]  }
0x1c8: {  	_ = 	snop  }
0x1c9: {  	v21, v22, _ =	vpop (xrf1)  }
0x1ca: {  	v21 =	vperm.xlane v21, v2  }
0x1cb: {  	v19 =	vadd.s32 s18, v19;
	v22 =	vperm.xlane v22, v2;
	v23, v24, _ =	vpop (xrf1)  }
0x1cc: {  	(xrf1) =	vsort.dscd.msk.f32 $0xffff, v20, v19;
	vm1 =	vge.f32 v23, v21  }
0x1cd: {  	v19 =	vsel vm1, v23, v21;
	v20 =	vsel vm1, v24, v22  }
0x1ce: {  	(xrf1) =	vsort.dscd.msk.f32 $0xffff, v19, v20;
	_ =	sdelay $0xb  }
0x1cf: {  	s17 =	simm.s32 $0x10600;
	v19, v20, _ =	vpop (xrf1)  }
0x1d0: {  	v21 =	vperm.xlane v18, v14;
	v22 =	vld [tilespmem:s17+$0x0];
	v19 =	vperm.xlane v19, v2  }
0x1d1: {  	v20 =	vperm.xlane v20, v2;
	v23, v62, _ =	vpop (xrf1)  }
0x1d2: {  	v21 =	vshll.u32 v21, $0x7;
	vm1 =	vge.f32 v23, v19  }
0x1d3: {  	s29 =	simm.s32 $0x0;
	v23 =	vsel vm1, v23, v19;
	v20 =	vsel vm1, v62, v20;
	v19 =	vor.u32 v0, v21  }
0x1d4: {  	(xrf1) =	vsort.dscd.msk.f32 $0xffff, v23, v20;
	v20 =	vadd.s32 s29, v19  }
0x1d5: {  	(xrf1) =	vsort.dscd.msk.f32 $0xffff, v22, v20;
	_ =	sdelay $0xa  }
0x1d6: {  	s30 =	simm.s32 $0x10610  }
0x1d7: {  	v22 =	vld [tilespmem:s30+$0x0]  }
0x1d8: {  	v20, v21, _ =	vpop (xrf1)  }
0x1d9: {  	v23, v63, _ =	vpop (xrf1)  }
0x1da: {  	s31 =	simm.s32 $0x10;
	v23 =	vperm.xlane v23, v2  }
0x1db: {  	v25 =	vadd.s32 s31, v19;
	v24 =	vperm.xlane v63, v2  }
0x1dc: {  	(xrf1) =	vsort.dscd.msk.f32 $0xffff, v22, v25;
	vm1 =	vge.f32 v20, v23  }
0x1dd: {  	v20 =	vsel vm1, v20, v23;
	v21 =	vsel vm1, v21, v24  }
0x1de: {  	(xrf1) =	vsort.dscd.msk.f32 $0xffff, v20, v21;
	_ =	sdelay $0x8  }
0x1df: {  	s17 =	simm.s32 $0x10620  }
0x1e0: {  	s18 =	simm.s32 $0x20;
	s19 =	simm.s32 $0x30;
	v20 =	vld [tilespmem:s17+$0x0]  }
.LBB2_29:
0x1e1: {  	p0 =	sne.s32 s19, $0x70  }
0x1e2: {  	v21, v22, _ =	vpop (xrf1)  }
0x1e3: {  	v21 =	vperm.xlane v21, v2  }
0x1e4: {  	v23 =	vadd.s32 s18, v19;
	s18 =	smov.u32 s19;
	v22 =	vperm.xlane v22, v2;
	v24, v25, _ =	vpop (xrf1)  }
0x1e5: {  	(xrf1) =	vsort.dscd.msk.f32 $0xffff, v20, v23;
	vm1 =	vge.f32 v24, v21  }
0x1e6: {  	v20 =	vsel vm1, v24, v21;
	v21 =	vsel vm1, v25, v22  }
0x1e7: {  	(xrf1) =	vsort.dscd.msk.f32 $0xffff, v20, v21;
	_ =	sdelay $0x5  }
.Ltmp13:
0x1e8: {  	(pc) =	sbr.rel @p0 .LBB2_29-.Ltmp13, $3  }
0x1e9: {  	_ =	sdelay $0x1  }
0x1ea: {  	s17 =	sadd.s32 $0x10, s17  }
0x1eb: {  	s19 =	sadd.s32 $0x10, s19;
	v20 =	vld [tilespmem:s17+$0x0]  }
0x1ec: {  	_ = 	snop  }
0x1ed: {  	v21, v22, _ =	vpop (xrf1)  }
0x1ee: {  	v21 =	vperm.xlane v21, v2  }
0x1ef: {  	v19 =	vadd.s32 s18, v19;
	v22 =	vperm.xlane v22, v2;
	v23, v24, _ =	vpop (xrf1)  }
0x1f0: {  	(xrf1) =	vsort.dscd.msk.f32 $0xffff, v20, v19;
	vm1 =	vge.f32 v23, v21  }
0x1f1: {  	v19 =	vsel vm1, v23, v21;
	v20 =	vsel vm1, v24, v22  }
0x1f2: {  	(xrf1) =	vsort.dscd.msk.f32 $0xffff, v19, v20;
	_ =	sdelay $0xb  }
0x1f3: {  	s17 =	simm.s32 $0x10680;
	v19, v20, _ =	vpop (xrf1)  }
0x1f4: {  	v21 =	vperm.xlane v18, v15;
	v22 =	vld [tilespmem:s17+$0x0];
	v19 =	vperm.xlane v19, v2  }
0x1f5: {  	v20 =	vperm.xlane v20, v2;
	v23, v62, _ =	vpop (xrf1)  }
0x1f6: {  	v21 =	vshll.u32 v21, $0x7;
	vm1 =	vge.f32 v23, v19  }
0x1f7: {  	s29 =	simm.s32 $0x0;
	v23 =	vsel vm1, v23, v19;
	v20 =	vsel vm1, v62, v20;
	v19 =	vor.u32 v0, v21  }
0x1f8: {  	(xrf1) =	vsort.dscd.msk.f32 $0xffff, v23, v20;
	v20 =	vadd.s32 s29, v19  }
0x1f9: {  	(xrf1) =	vsort.dscd.msk.f32 $0xffff, v22, v20;
	_ =	sdelay $0xa  }
0x1fa: {  	s30 =	simm.s32 $0x10690  }
0x1fb: {  	v22 =	vld [tilespmem:s30+$0x0]  }
0x1fc: {  	v20, v21, _ =	vpop (xrf1)  }
0x1fd: {  	v23, v63, _ =	vpop (xrf1)  }
0x1fe: {  	s31 =	simm.s32 $0x10;
	v23 =	vperm.xlane v23, v2  }
0x1ff: {  	v25 =	vadd.s32 s31, v19;
	v24 =	vperm.xlane v63, v2  }
0x200: {  	(xrf1) =	vsort.dscd.msk.f32 $0xffff, v22, v25;
	vm1 =	vge.f32 v20, v23  }
0x201: {  	v20 =	vsel vm1, v20, v23;
	v21 =	vsel vm1, v21, v24  }
0x202: {  	(xrf1) =	vsort.dscd.msk.f32 $0xffff, v20, v21;
	_ =	sdelay $0x8  }
0x203: {  	s17 =	simm.s32 $0x106A0  }
0x204: {  	s18 =	simm.s32 $0x20;
	s19 =	simm.s32 $0x30;
	v20 =	vld [tilespmem:s17+$0x0]  }
.LBB2_31:
0x205: {  	p0 =	sne.s32 s19, $0x70  }
0x206: {  	v21, v22, _ =	vpop (xrf1)  }
0x207: {  	v21 =	vperm.xlane v21, v2  }
0x208: {  	v23 =	vadd.s32 s18, v19;
	s18 =	smov.u32 s19;
	v22 =	vperm.xlane v22, v2;
	v24, v25, _ =	vpop (xrf1)  }
0x209: {  	(xrf1) =	vsort.dscd.msk.f32 $0xffff, v20, v23;
	vm1 =	vge.f32 v24, v21  }
0x20a: {  	v20 =	vsel vm1, v24, v21;
	v21 =	vsel vm1, v25, v22  }
0x20b: {  	(xrf1) =	vsort.dscd.msk.f32 $0xffff, v20, v21;
	_ =	sdelay $0x5  }
.Ltmp14:
0x20c: {  	(pc) =	sbr.rel @p0 .LBB2_31-.Ltmp14, $3  }
0x20d: {  	_ =	sdelay $0x1  }
0x20e: {  	s17 =	sadd.s32 $0x10, s17  }
0x20f: {  	s19 =	sadd.s32 $0x10, s19;
	v20 =	vld [tilespmem:s17+$0x0]  }
0x210: {  	_ = 	snop  }
0x211: {  	v21, v22, _ =	vpop (xrf1)  }
0x212: {  	v21 =	vperm.xlane v21, v2  }
0x213: {  	v19 =	vadd.s32 s18, v19;
	v22 =	vperm.xlane v22, v2;
	v23, v24, _ =	vpop (xrf1)  }
0x214: {  	(xrf1) =	vsort.dscd.msk.f32 $0xffff, v20, v19;
	vm1 =	vge.f32 v23, v21  }
0x215: {  	v19 =	vsel vm1, v23, v21;
	v20 =	vsel vm1, v24, v22  }
0x216: {  	(xrf1) =	vsort.dscd.msk.f32 $0xffff, v19, v20;
	_ =	sdelay $0xb  }
0x217: {  	s17 =	simm.s32 $0x10700;
	v19, v20, _ =	vpop (xrf1)  }
0x218: {  	v21 =	vperm.xlane v18, v16;
	v22 =	vld [tilespmem:s17+$0x0];
	v19 =	vperm.xlane v19, v2  }
0x219: {  	v20 =	vperm.xlane v20, v2;
	v23, v62, _ =	vpop (xrf1)  }
0x21a: {  	v21 =	vshll.u32 v21, $0x7;
	vm1 =	vge.f32 v23, v19  }
0x21b: {  	s29 =	simm.s32 $0x0;
	v23 =	vsel vm1, v23, v19;
	v20 =	vsel vm1, v62, v20;
	v19 =	vor.u32 v0, v21  }
0x21c: {  	(xrf1) =	vsort.dscd.msk.f32 $0xffff, v23, v20;
	v20 =	vadd.s32 s29, v19  }
0x21d: {  	(xrf1) =	vsort.dscd.msk.f32 $0xffff, v22, v20;
	_ =	sdelay $0xa  }
0x21e: {  	s30 =	simm.s32 $0x10710  }
0x21f: {  	v22 =	vld [tilespmem:s30+$0x0]  }
0x220: {  	v20, v21, _ =	vpop (xrf1)  }
0x221: {  	v23, v63, _ =	vpop (xrf1)  }
0x222: {  	s31 =	simm.s32 $0x10;
	v23 =	vperm.xlane v23, v2  }
0x223: {  	v25 =	vadd.s32 s31, v19;
	v24 =	vperm.xlane v63, v2  }
0x224: {  	(xrf1) =	vsort.dscd.msk.f32 $0xffff, v22, v25;
	vm1 =	vge.f32 v20, v23  }
0x225: {  	v20 =	vsel vm1, v20, v23;
	v21 =	vsel vm1, v21, v24  }
0x226: {  	(xrf1) =	vsort.dscd.msk.f32 $0xffff, v20, v21;
	_ =	sdelay $0x8  }
0x227: {  	s17 =	simm.s32 $0x10720  }
0x228: {  	s18 =	simm.s32 $0x20;
	s19 =	simm.s32 $0x30;
	v20 =	vld [tilespmem:s17+$0x0]  }
.LBB2_33:
0x229: {  	p0 =	sne.s32 s19, $0x70  }
0x22a: {  	v21, v22, _ =	vpop (xrf1)  }
0x22b: {  	v21 =	vperm.xlane v21, v2  }
0x22c: {  	v23 =	vadd.s32 s18, v19;
	s18 =	smov.u32 s19;
	v22 =	vperm.xlane v22, v2;
	v24, v25, _ =	vpop (xrf1)  }
0x22d: {  	(xrf1) =	vsort.dscd.msk.f32 $0xffff, v20, v23;
	vm1 =	vge.f32 v24, v21  }
0x22e: {  	v20 =	vsel vm1, v24, v21;
	v21 =	vsel vm1, v25, v22  }
0x22f: {  	(xrf1) =	vsort.dscd.msk.f32 $0xffff, v20, v21;
	_ =	sdelay $0x5  }
.Ltmp15:
0x230: {  	(pc) =	sbr.rel @p0 .LBB2_33-.Ltmp15, $3  }
0x231: {  	_ =	sdelay $0x1  }
0x232: {  	s17 =	sadd.s32 $0x10, s17  }
0x233: {  	s19 =	sadd.s32 $0x10, s19;
	v20 =	vld [tilespmem:s17+$0x0]  }
0x234: {  	_ = 	snop  }
0x235: {  	v21, v22, _ =	vpop (xrf1)  }
0x236: {  	v21 =	vperm.xlane v21, v2  }
0x237: {  	v19 =	vadd.s32 s18, v19;
	v22 =	vperm.xlane v22, v2;
	v23, v24, _ =	vpop (xrf1)  }
0x238: {  	(xrf1) =	vsort.dscd.msk.f32 $0xffff, v20, v19;
	vm1 =	vge.f32 v23, v21  }
0x239: {  	v19 =	vsel vm1, v23, v21;
	v20 =	vsel vm1, v24, v22  }
0x23a: {  	(xrf1) =	vsort.dscd.msk.f32 $0xffff, v19, v20;
	_ =	sdelay $0xb  }
0x23b: {  	s17 =	simm.s32 $0x10780;
	v19, v20, _ =	vpop (xrf1)  }
0x23c: {  	v18 =	vperm.xlane v18, v17;
	v57 =	vld [tilespmem:s17+$0x0];
	v19 =	vperm.xlane v19, v2  }
0x23d: {  	v20 =	vperm.xlane v20, v2;
	v59, v58, _ =	vpop (xrf1)  }
0x23e: {  	v18 =	vshll.u32 v18, $0x7;
	vm1 =	vge.f32 v59, v19  }
0x23f: {  	s29 =	simm.s32 $0x0;
	v18 =	vor.u32 v0, v18;
	v19 =	vsel vm1, v59, v19;
	v20 =	vsel vm1, v58, v20  }
0x240: {  	(xrf1) =	vsort.dscd.msk.f32 $0xffff, v19, v20;
	v19 =	vadd.s32 s29, v18  }
0x241: {  	(xrf1) =	vsort.dscd.msk.f32 $0xffff, v57, v19;
	_ =	sdelay $0xa  }
0x242: {  	s30 =	simm.s32 $0x10790  }
0x243: {  	v60 =	vld [tilespmem:s30+$0x0]  }
0x244: {  	v19, v20, _ =	vpop (xrf1)  }
0x245: {  	v61, v62, _ =	vpop (xrf1)  }
0x246: {  	s31 =	simm.s32 $0x10;
	v22 =	vperm.xlane v61, v2  }
0x247: {  	v63 =	vadd.s32 s31, v18;
	v23 =	vperm.xlane v62, v2  }
0x248: {  	(xrf1) =	vsort.dscd.msk.f32 $0xffff, v60, v63;
	vm1 =	vge.f32 v19, v22  }
0x249: {  	v19 =	vsel vm1, v19, v22;
	v20 =	vsel vm1, v20, v23  }
0x24a: {  	(xrf1) =	vsort.dscd.msk.f32 $0xffff, v19, v20;
	_ =	sdelay $0x8  }
0x24b: {  	s17 =	simm.s32 $0x107A0  }
0x24c: {  	s18 =	simm.s32 $0x20;
	s19 =	simm.s32 $0x30;
	v19 =	vld [tilespmem:s17+$0x0]  }
.LBB2_35:
0x24d: {  	p0 =	sne.s32 s19, $0x70  }
0x24e: {  	v20, v21, _ =	vpop (xrf1)  }
0x24f: {  	v20 =	vperm.xlane v20, v2  }
0x250: {  	v22 =	vadd.s32 s18, v18;
	s18 =	smov.u32 s19;
	v21 =	vperm.xlane v21, v2;
	v23, v24, _ =	vpop (xrf1)  }
0x251: {  	(xrf1) =	vsort.dscd.msk.f32 $0xffff, v19, v22;
	vm1 =	vge.f32 v23, v20  }
0x252: {  	v19 =	vsel vm1, v23, v20;
	v20 =	vsel vm1, v24, v21  }
0x253: {  	(xrf1) =	vsort.dscd.msk.f32 $0xffff, v19, v20;
	_ =	sdelay $0x5  }
.Ltmp16:
0x254: {  	(pc) =	sbr.rel @p0 .LBB2_35-.Ltmp16, $3  }
0x255: {  	_ =	sdelay $0x1  }
0x256: {  	s17 =	sadd.s32 $0x10, s17  }
0x257: {  	s19 =	sadd.s32 $0x10, s19;
	v19 =	vld [tilespmem:s17+$0x0]  }
0x258: {  	_ = 	snop  }
0x259: {  	v20, v21, _ =	vpop (xrf1)  }
0x25a: {  	v20 =	vperm.xlane v20, v2  }
0x25b: {  	v18 =	vadd.s32 s18, v18;
	v21 =	vperm.xlane v21, v2;
	v22, v23, _ =	vpop (xrf1)  }
0x25c: {  	(xrf1) =	vsort.dscd.msk.f32 $0xffff, v19, v18;
	vm1 =	vge.f32 v22, v20  }
0x25d: {  	v18 =	vsel vm1, v22, v20;
	v19 =	vsel vm1, v23, v21  }
0x25e: {  	(xrf1) =	vsort.dscd.msk.f32 $0xffff, v18, v19;
	_ =	sdelay $0xb  }
0x25f: {  	v18, v19, _ =	vpop (xrf1)  }
0x260: {  	v18 =	vperm.xlane v18, v2  }
0x261: {  	v19 =	vperm.xlane v19, v2;
	v61, v62, _ =	vpop (xrf1)  }
0x262: {  	vm1 =	vge.f32 v61, v18  }
0x263: {  	v18 =	vsel vm1, v61, v18;
	v19 =	vsel vm1, v62, v19  }
0x264: {  	(xrf1) =	vsort.dscd.msk.f32 $0xffff, v18, v19;
	_ =	sdelay $0xd  }
0x265: {  	v18, v19, _ =	vpop (xrf1)  }
0x266: {  	v18 =	vmul.f32 $3.333333430e-01, v18;
	_ =	sdelay $0x1  }
0x267: {  	v18 =	vmul.f32 $1.442695020e+00, v18;
	_ =	sdelay $0x1  }
0x268: {  	(erf) = vpow2.f32 v18;
	_ =	sdelay $0x8  }
0x269: {  	vm1 =	vmmov $0x3ff;
	v18 =	vpop (erf)  }
0x26a: {  	v18 =	vnsel vm1, $0x0, v18  }
0x26b: {  	(xrf2) =	vadd.scan.msk.f32 $0xffff, v18;
	_ =	sdelay $0x9  }
0x26c: {  	v63, _, _ =	vpop (xrf2)  }
0x26d: {  	v20 =	vbroadcast v63, $0xF;
	_ =	sdelay $0x1  }
0x26e: {  	(erf) = vrcp.f32 v20;
	_ =	sdelay $0x8  }
0x26f: {  	s15 =	sshll.u32 s15, $0x13;
	v20 =	vpop (erf)  }
0x270: {  	s15 =	sor.u32 s16, s15;
	v18 =	vmul.f32 v20, v18  }
0x271: {  	s14 =	sadd.s32 $0x1, s14;
	s15 =	sshrl.u32 s15, $0x3  }
0x272: {  	p0 =	sne.s32 s14, $0x30;
	s15 =	sadd.s32 s1, s15;
	[tilespmem:v19+s3+$0x0] =	vst.idx.msk $0xffff, v18  }
0x273: {  	[hbm4b:s15+s10] =	stream.strided.scatter [tilespmem:s3], [sflag:$0x1], $0x10000, s11, s10, $0x38;
	[tilespmem:$0x10880] =	vst v63  }
.Ltmp17:
0x274: {  	_ = 	snop;
	(pc) =	sbr.rel @p0 .LBB2_4-.Ltmp17, $4  }
0x275: {  	_ =	swait.ge [sflag:s9], $0x10000  }
0x276: {  	[sflag:s9] =	ssyncset.done $0x0  }
0x277: {  	[sflag:s9] =	ssyncadd.s32 $0xFFFF0000  }
0x278: {  	[tilespmem:v19+s3+$0x0] =	vst.idx.msk $0xffff, v1  }
0x279: {  	s12 =	sadd.s32 $0x1, s12  }
0x27a: {  	p0 =	sne.s32 s12, s7  }
.Ltmp18:
0x27b: {  	_ = 	snop;
	(pc) =	sbr.rel @p0 .LBB2_1-.Ltmp18, $1  }
0x27c: {  	_ =	sdelay $0x3  }
0x27d: {  	_ =	sfence.sel $0x180000  }
0x27e: {  	[bflag:$0x0] =	sbarrier.arrive $0xFFFF  }
0x27f: {  	p0 =	sne.s32 s2, $0x0;
	_ =	strace $0x90000047  }
0x280: {  	s0 =	sadd.s32 @!p0 $0x100000, s0;
	[bflag:$0x2] =	sbarrier.arrive $0xFFFF  }
0x281: {  	[sflag:s0] =	ssyncadd.tile.s32 @!p0 $0x1;
	_ =	shalt  }
.Lfunc_end2:
_tile_overlayer_lowered:
.L_overlay_start_2:
0x282: {  	(tag) =	ssettag $0x2  }
0x283: {  	s0 =	rddreg [dreg:$0x0];
	s2 =	stileid.u32  }
0x284: {  	s1 =	rddreg [dreg:$0x1];
	p0 =	sne.s32 s2, $0x0  }
0x285: {  	s3 =	rddreg [dreg:$0x2];
	[bflag:$0x3] =	sbarrier.arrive $0xFFFF;
	s2 =	simm.s32 @!p0 $0x1C01  }
0x286: {  	[timem:s3], [sflag:s2] =	dma.local @!p0 [hbm:s0], s1  }
0x287: {  	s0 =	simm.s32 @!p0 $0x1  }
0x288: {  	_ =	swait.ge @!p0 [sflag:s0], s1  }
0x289: {  	s1 =	ssub.s32 @!p0 $0x0, s1;
	[sflag:s0] =	ssyncset.done @!p0 $0x0  }
0x28a: {  	[sflag:s0] =	ssyncadd.s32 @!p0 s1  }
0x28b: {  	[bflag:$0x3] =	sbarrier.arrive $0xFFFF  }
0x28c: {  	_ =	shalt  }

</sc_bundles>
